<compile_context>
chip_gen: v7x
topology: tpu7x:2x2x1
jax: 0.10.2.dev20260603
libtpu: 0.0.44.dev20260713+nightly
codegen_flags: <defaults>
</compile_context>

<pallas_src>
import jax
import jax.numpy as jnp
from jax.experimental import pallas as pl
from jax.experimental.pallas import tpu as pltpu
from jax.experimental.pallas import tpu_sc as plsc

_K = 8192
_C = 256
_NTOK = 8192
_TOK_TILE = 256
_K_TILE = 1024
_GATHER_WINDOW = 128


def _argmin_body(cn_ref, z_ref, cb_ref, idx_ref):
    zc = z_ref[0]
    z = zc.T
    zn = jnp.sum(z ** 2, axis=1, keepdims=True)
    z2 = z * 2.0
    li = jax.lax.broadcasted_iota(
        jnp.int32, (_TOK_TILE, 128), 1).astype(jnp.float32)

    def lane_argmin(d):
        m = [d[:, k * 128:(k + 1) * 128] for k in range(8)]
        c01 = m[1] < m[0]
        c23 = m[3] < m[2]
        c45 = m[5] < m[4]
        c67 = m[7] < m[6]
        m01 = jnp.where(c01, m[1], m[0])
        a01 = jnp.where(c01, 1.0, 0.0)
        m23 = jnp.where(c23, m[3], m[2])
        a23 = jnp.where(c23, 3.0, 2.0)
        m45 = jnp.where(c45, m[5], m[4])
        a45 = jnp.where(c45, 5.0, 4.0)
        m67 = jnp.where(c67, m[7], m[6])
        a67 = jnp.where(c67, 7.0, 6.0)
        c03 = m23 < m01
        c47 = m67 < m45
        m03 = jnp.where(c03, m23, m01)
        a03 = jnp.where(c03, a23, a01)
        m47 = jnp.where(c47, m67, m45)
        a47 = jnp.where(c47, a67, a45)
        c07 = m47 < m03
        m07 = jnp.where(c07, m47, m03)
        a07 = jnp.where(c07, a47, a03)
        idxw = a07 * 128.0 + li
        lm = jnp.min(m07, axis=1, keepdims=True)
        la = jnp.min(jnp.where(m07 == lm, idxw, jnp.float32(_K)),
                     axis=1, keepdims=True)
        return lm, la

    mins = None
    args = None
    for j in range(_K // _K_TILE):
        c = cb_ref[pl.ds(j * _K_TILE, _K_TILE), :]
        t3 = jax.lax.dot_general(
            z2, c, (((1,), (1,)), ((), ())),
            preferred_element_type=jnp.float32)
        cn = cn_ref[:, pl.ds(j * _K_TILE, _K_TILE)]
        d = (zn + cn) - t3
        lm, la = lane_argmin(d)
        la = la.astype(jnp.int32) + j * _K_TILE
        if mins is None:
            mins, args = lm, la
        else:
            upd = lm < mins
            mins = jnp.where(upd, lm, mins)
            args = jnp.where(upd, la, args)
    idx_ref[0, 0, :] = args[:, 0]


def _compute_indices(cn, z2d, codebook):
    idx3 = pl.pallas_call(
        _argmin_body,
        grid=(_NTOK // _TOK_TILE,),
        in_specs=[
            pl.BlockSpec((1, _K), lambda i: (0, 0)),
            pl.BlockSpec((1, _C, _TOK_TILE), lambda i: (i // 4, 0, i % 4)),
            pl.BlockSpec((_K, _C), lambda i: (0, 0)),
        ],
        out_specs=pl.BlockSpec((1, 1, _TOK_TILE), lambda i: (i, 0, 0)),
        out_shape=jax.ShapeDtypeStruct(
            (_NTOK // _TOK_TILE, 1, _TOK_TILE), jnp.int32),
    )(cn, z2d, codebook)
    return idx3.reshape(_NTOK)


def _sc_gather(codebook, indices):
    idx2 = indices.reshape(1, _NTOK)
    mesh = plsc.VectorSubcoreMesh(
        core_axis_name="core", subcore_axis_name="subcore")

    @pl.kernel(out_type=jax.ShapeDtypeStruct((_NTOK, _C), jnp.float32),
               mesh=mesh)
    def gk(cb_hbm, i_hbm, o_hbm):
        def body(i_vmem, o_vmem):
            pltpu.sync_copy(cb_hbm.at[i_vmem.at[0]], o_vmem)

        pltpu.emit_pipeline(
            body,
            grid=(_NTOK // _GATHER_WINDOW,),
            in_specs=[pl.BlockSpec((1, _GATHER_WINDOW),
                                   index_map=lambda i: (0, i))],
            out_specs=[pl.BlockSpec((_GATHER_WINDOW, _C),
                                    index_map=lambda i: (i, 0))],
            core_axis_name=("core", "subcore"),
            dimension_semantics=(pltpu.PARALLEL,),
        )(i_hbm, o_hbm)

    return gk(codebook, idx2)


def _st_loss_body(q_ref, z_ref, qst_ref, acc_ref):
    @pl.when(pl.program_id(0) == 0)
    def _():
        acc_ref[...] = jnp.zeros((1, 1), jnp.float32)
    q = q_ref[...]
    zb = z_ref[...]
    d = q - zb
    qst_ref[...] = zb + d
    acc_ref[...] += jnp.sum(d * d).reshape(1, 1)


def _st_and_loss(q, z_raw):
    nblk = 8
    qst, tot = pl.pallas_call(
        _st_loss_body,
        grid=(nblk,),
        in_specs=[
            pl.BlockSpec((_NTOK // nblk, _C), lambda i: (i, 0)),
            pl.BlockSpec((_NTOK // nblk, _C), lambda i: (i, 0)),
        ],
        out_specs=[
            pl.BlockSpec((_NTOK // nblk, _C), lambda i: (i, 0)),
            pl.BlockSpec((1, 1), lambda i: (0, 0)),
        ],
        out_shape=[
            jax.ShapeDtypeStruct((_NTOK, _C), jnp.float32),
            jax.ShapeDtypeStruct((1, 1), jnp.float32),
        ],
    )(q, z_raw)
    loss = tot[0, 0] / jnp.float32(_NTOK * _C)
    return qst, loss


def kernel(z, codebook):
    B, C, H, W = z.shape
    z2d = z.reshape(B, C, H * W)
    cn = jnp.sum(codebook ** 2, axis=1).reshape(1, _K)

    indices = _compute_indices(cn, z2d, codebook)
    q = _sc_gather(codebook, indices)

    z_raw = z.reshape(_NTOK, C)
    qst, loss = _st_and_loss(q, z_raw)

    quantized_st = qst.reshape(z.shape)
    return (quantized_st, indices.reshape(B, H, W), loss, loss)

# --- scband reference (transcript-rebuilt; emitter-appended) ---
"""Pipeline reference for scband-simple-vector-quantizer-89773406421457 (READ-ONLY COPY).

The authoritative reference and input builder live on the scoring server;
editing this copy changes nothing except your own understanding.
"""

import jax, jax.numpy as jnp
import numpy as np

NUM_EMBEDDINGS = 8192
EMBEDDING_DIM = 256


def setup_inputs(seed: int = 0) -> dict:
    key = jax.random.key(seed)
    k1, k2 = jax.random.split(key)
    z = jax.random.normal(k1, (8, 256, 32, 32), dtype=jnp.float32)
    # codebook buffer: initialized with uniform(-1/K, 1/K) as in torch module
    codebook = jax.random.uniform(
        k2, (NUM_EMBEDDINGS, EMBEDDING_DIM), dtype=jnp.float32,
        minval=-1.0 / NUM_EMBEDDINGS, maxval=1.0 / NUM_EMBEDDINGS)
    return {"z": z, "codebook": codebook}


def reference(z, codebook):
    B, C, H, W = z.shape
    K = codebook.shape[0]
    z_flat = jnp.transpose(z, (0, 2, 3, 1)).reshape(-1, C)
    distances = (jnp.sum(z_flat ** 2, axis=1, keepdims=True)
                 + jnp.sum(codebook ** 2, axis=1)
                 - 2.0 * jnp.matmul(z_flat, codebook.T))
    indices = jnp.argmin(distances, axis=1)
    encodings = jax.nn.one_hot(indices, K, dtype=jnp.float32)
    quantized_flat = jnp.matmul(encodings, codebook)
    # faithful to torch: view(z.shape) reinterprets the contiguous buffer
    quantized = quantized_flat.reshape(z.shape)
    commitment_loss = jnp.mean((jax.lax.stop_gradient(quantized) - z) ** 2)
    codebook_loss = jnp.mean((quantized - jax.lax.stop_gradient(z)) ** 2)
    quantized_st = z + jax.lax.stop_gradient(quantized - z)
    return (quantized_st, indices.reshape(B, H, W), commitment_loss, codebook_loss)

if __name__ == "__main__":
    import jax
    _d = setup_inputs()
    print(jax.jit(kernel)(*tuple(_d.values())))

</pallas_src>

<mosaic_0001>
#map = affine_map<(d0, d1) -> (0, 0)>
module attributes {stable_mosaic.version = 14 : i64} {
  func.func @gk(%arg0: i32, %arg1: i32, %arg2: memref<8192x256xf32, #tpu.memory_space<hbm>>, %arg3: memref<1x8192xi32, #tpu.memory_space<hbm>>, %arg4: memref<8192x256xf32, #tpu.memory_space<hbm>>) attributes {dimension_semantics = [#tpu.dimension_semantics<core_parallel>, #tpu.dimension_semantics<subcore_parallel>], iteration_bounds = array<i64: 2, 16>, scalar_prefetch = 0 : i64, scratch_operands = 0 : i64, tpu.core_type = #tpu.core_type<sc_vector_subcore>, window_params = [{transform_indices = #map}, {transform_indices = #map}, {transform_indices = #map}]} {
    %mul3A = arith.constant 1 : i32
    %mul3A_0 = arith.muli %arg1, %mul3A : i32
    %add3A = arith.constant 0 : i32
    %add3A_1 = arith.addi %add3A, %mul3A_0 : i32
    %mul3A_2 = arith.constant 16 : i32
    %mul3A_3 = arith.muli %arg0, %mul3A_2 : i32
    %add3A_4 = arith.addi %add3A_1, %mul3A_3 : i32
    %mul3A_5 = arith.constant 2 : i32
    %mul3A_6 = arith.muli %add3A_4, %mul3A_5 : i32
    "tpu.region"() ({
      %run_scoped3A = memref.alloca() : memref<2x1x128xi32, #tpu.memory_space<vmem>>
      %run_scoped3A_7 = tpu.sem_alloc : memref<2x!tpu.dma_semaphore, #tpu.memory_space<semaphore_mem>>
      %run_scoped3A_8 = memref.alloca() : memref<2x128x256xf32, #tpu.memory_space<vmem>>
      %run_scoped3A_9 = tpu.sem_alloc : memref<2x!tpu.dma_semaphore, #tpu.memory_space<semaphore_mem>>
      %add3A_10 = arith.constant 0 : i32
      %add3A_11 = arith.addi %add3A_10, %mul3A_6 : i32
      %select_n3A = arith.constant true
      %select_n3A_12 = arith.constant 0 : i32
      %select_n3A_13 = arith.constant -1 : i32
      %select_n3A_14 = arith.select %select_n3A, %select_n3A_13, %select_n3A_12 : i32
      %eq3A = arith.constant -1 : i32
      %eq3A_15 = arith.cmpi eq, %select_n3A_14, %eq3A : i32
      %select_n3A_16 = arith.constant 1 : i32
      %select_n3A_17 = arith.select %eq3A_15, %select_n3A_16, %select_n3A_14 : i32
      %add3A_18 = arith.addi %select_n3A_17, %mul3A_6 : i32
      %select_n3A_19 = arith.constant true
      %select_n3A_20 = arith.constant 0 : i32
      %select_n3A_21 = arith.constant 1 : i32
      %select_n3A_22 = arith.select %select_n3A_19, %select_n3A_21, %select_n3A_20 : i32
      %eq3A_23 = arith.constant 2 : i32
      %eq3A_24 = arith.cmpi eq, %select_n3A_22, %eq3A_23 : i32
      %select_n3A_25 = arith.constant 0 : i32
      %select_n3A_26 = arith.select %eq3A_24, %select_n3A_25, %select_n3A_22 : i32
      %add3A_27 = arith.addi %select_n3A_26, %mul3A_6 : i32
      %add3A_28 = arith.constant 1 : i32
      %add3A_29 = arith.addi %select_n3A_26, %add3A_28 : i32
      %select_n3A_30 = arith.constant true
      %select_n3A_31 = arith.select %select_n3A_30, %add3A_29, %select_n3A_26 : i32
      %eq3A_32 = arith.constant 2 : i32
      %eq3A_33 = arith.cmpi eq, %select_n3A_31, %eq3A_32 : i32
      %select_n3A_34 = arith.constant 0 : i32
      %select_n3A_35 = arith.select %eq3A_33, %select_n3A_34, %select_n3A_31 : i32
      %add3A_36 = arith.addi %select_n3A_35, %mul3A_6 : i32
      "tpu.trace_start"() <{level = 10 : i32, message = "ep_initialize_0"}> : () -> ()
      %rem3A = arith.constant 0 : i32
      %rem3A_37 = arith.constant 2 : i32
      %rem3A_38 = arith.remui %rem3A, %rem3A_37 : i32
      %mul3A_39 = arith.constant 128 : i32
      %mul3A_40 = arith.muli %mul3A_39, %add3A_11 : i32
      %dma_start3A = arith.constant 0 : i32
      %dma_start3A_41 = arith.constant 0 : i32
      %dma_start3A_42 = tpu.memref_slice %run_scoped3A[%rem3A_38, %dma_start3A, %dma_start3A_41] : memref<2x1x128xi32, #tpu.memory_space<vmem>> -> memref<1x1x128xi32, #tpu.memory_space<vmem>>
      %dma_start3A_43 = tpu.memref_squeeze %dma_start3A_42 : memref<1x1x128xi32, #tpu.memory_space<vmem>> -> memref<1x128xi32, #tpu.memory_space<vmem>>
      %dma_start3A_44 = arith.constant 0 : i32
      %dma_start3A_45 = tpu.memref_slice %arg3[%dma_start3A_44, %mul3A_40] : memref<1x8192xi32, #tpu.memory_space<hbm>> -> memref<1x128xi32, #tpu.memory_space<hbm>>
      %dma_start3A_46 = tpu.memref_slice %run_scoped3A_7[%rem3A_38] : memref<2x!tpu.dma_semaphore, #tpu.memory_space<semaphore_mem>> -> memref<1x!tpu.dma_semaphore, #tpu.memory_space<semaphore_mem>>
      %dma_start3A_47 = tpu.memref_squeeze %dma_start3A_46 : memref<1x!tpu.dma_semaphore, #tpu.memory_space<semaphore_mem>> -> memref<!tpu.dma_semaphore, #tpu.memory_space<semaphore_mem>>
      %dma_start3A_48 = arith.constant 0 : i32
      %dma_start3A_49 = arith.constant 0 : i32
      %dma_start3A_50 = tpu.memref_slice %run_scoped3A[%rem3A_38, %dma_start3A_48, %dma_start3A_49] : memref<2x1x128xi32, #tpu.memory_space<vmem>> -> memref<1x1x128xi32, #tpu.memory_space<vmem>>
      %dma_start3A_51 = tpu.memref_squeeze %dma_start3A_50 : memref<1x1x128xi32, #tpu.memory_space<vmem>> -> memref<1x128xi32, #tpu.memory_space<vmem>>
      %dma_start3A_52 = arith.constant 0 : i32
      %dma_start3A_53 = tpu.memref_slice %arg3[%dma_start3A_52, %mul3A_40] : memref<1x8192xi32, #tpu.memory_space<hbm>> -> memref<1x128xi32, #tpu.memory_space<hbm>>
      tpu.enqueue_dma source(%dma_start3A_53 : memref<1x128xi32, #tpu.memory_space<hbm>>) target(%dma_start3A_51 : memref<1x128xi32, #tpu.memory_space<vmem>>) target_semaphore(%dma_start3A_47 : memref<!tpu.dma_semaphore, #tpu.memory_space<semaphore_mem>>)
      %add3A_54 = arith.constant 0 : i32
      %add3A_55 = arith.constant 1 : i32
      %add3A_56 = arith.addi %add3A_54, %add3A_55 : i32
      %select_n3A_57 = arith.constant true
      %select_n3A_58 = arith.constant 0 : i32
      %select_n3A_59 = arith.select %select_n3A_57, %add3A_56, %select_n3A_58 : i32
      "tpu.trace_stop"() : () -> ()
      %scan3A = arith.constant 0 : i32
      %scan3A_60 = arith.constant 0 : i32
      %scan3A_61 = arith.constant 0 : i32
      %scan3A_62 = arith.constant 0 : i32
      %scan3A_63 = arith.constant 0 : i32
      %scan3A_64 = arith.constant 2 : i32
      %scan3A_65 = arith.addi %scan3A_63, %scan3A_64 : i32
      %scan3A_66 = arith.constant 1 : i32
      %scan3A_67:5 = scf.for %scan3A_121 = %scan3A_63 to %scan3A_65 step %scan3A_66 iter_args(%scan3A_122 = %select_n3A_59, %scan3A_123 = %scan3A, %scan3A_124 = %scan3A_60, %scan3A_125 = %scan3A_61, %scan3A_126 = %scan3A_62) -> (i32, i32, i32, i32, i32)  : i32 {
        %eq3A_127 = arith.constant 0 : i32
        %eq3A_128 = arith.cmpi eq, %scan3A_121, %eq3A_127 : i32
        %eq3A_129 = arith.constant 1 : i32
        %eq3A_130 = arith.cmpi eq, %scan3A_121, %eq3A_129 : i32
        %add3A_131 = arith.addi %scan3A_126, %mul3A_6 : i32
        %sub3A_132 = arith.constant 1 : i32
        %sub3A_133 = arith.subi %scan3A_126, %sub3A_132 : i32
        %select_n3A_134 = arith.constant true
        %select_n3A_135 = arith.select %select_n3A_134, %sub3A_133, %scan3A_126 : i32
        %eq3A_136 = arith.constant -1 : i32
        %eq3A_137 = arith.cmpi eq, %select_n3A_135, %eq3A_136 : i32
        %select_n3A_138 = arith.constant 1 : i32
        %select_n3A_139 = arith.select %eq3A_137, %select_n3A_138, %select_n3A_135 : i32
        %add3A_140 = arith.addi %select_n3A_139, %mul3A_6 : i32
        %add3A_141 = arith.constant 1 : i32
        %add3A_142 = arith.addi %scan3A_126, %add3A_141 : i32
        %select_n3A_143 = arith.constant true
        %select_n3A_144 = arith.select %select_n3A_143, %add3A_142, %scan3A_126 : i32
        %eq3A_145 = arith.constant 2 : i32
        %eq3A_146 = arith.cmpi eq, %select_n3A_144, %eq3A_145 : i32
        %select_n3A_147 = arith.constant 0 : i32
        %select_n3A_148 = arith.select %eq3A_146, %select_n3A_147, %select_n3A_144 : i32
        %add3A_149 = arith.addi %select_n3A_148, %mul3A_6 : i32
        %add3A_150 = arith.constant 1 : i32
        %add3A_151 = arith.addi %select_n3A_148, %add3A_150 : i32
        %select_n3A_152 = arith.constant true
        %select_n3A_153 = arith.select %select_n3A_152, %add3A_151, %select_n3A_148 : i32
        %eq3A_154 = arith.constant 2 : i32
        %eq3A_155 = arith.cmpi eq, %select_n3A_153, %eq3A_154 : i32
        %select_n3A_156 = arith.constant 0 : i32
        %select_n3A_157 = arith.select %eq3A_155, %select_n3A_156, %select_n3A_153 : i32
        %add3A_158 = arith.addi %select_n3A_157, %mul3A_6 : i32
        %ne3A = arith.cmpi ne, %add3A_131, %add3A_149 : i32
        %or3A = arith.constant false
        %or3A_159 = arith.ori %or3A, %ne3A : i1
        %ge3A = arith.constant 1 : i32
        %ge3A_160 = arith.cmpi sge, %scan3A_121, %ge3A : i32
        %not3A = arith.constant true
        %not3A_161 = arith.xori %ge3A_160, %not3A : i1
        %and3A = arith.andi %or3A_159, %not3A_161 : i1
        %convert_element_type3A = arith.extui %and3A : i1 to i32
        %cond3A = arith.constant 0 : i32
        %cond3A_162 = arith.cmpi ne, %convert_element_type3A, %cond3A : i32
        scf.if %cond3A_162 {
          "tpu.trace_start"() <{level = 10 : i32, message = "ep_copy_in"}> : () -> ()
          %rem3A_264 = arith.constant 2 : i32
          %rem3A_265 = arith.remui %scan3A_122, %rem3A_264 : i32
          %mul3A_266 = arith.constant 128 : i32
          %mul3A_267 = arith.muli %mul3A_266, %add3A_149 : i32
          %dma_start3A_268 = arith.constant 0 : i32
          %dma_start3A_269 = arith.constant 0 : i32
          %dma_start3A_270 = tpu.memref_slice %run_scoped3A[%rem3A_265, %dma_start3A_268, %dma_start3A_269] : memref<2x1x128xi32, #tpu.memory_space<vmem>> -> memref<1x1x128xi32, #tpu.memory_space<vmem>>
          %dma_start3A_271 = tpu.memref_squeeze %dma_start3A_270 : memref<1x1x128xi32, #tpu.memory_space<vmem>> -> memref<1x128xi32, #tpu.memory_space<vmem>>
          %dma_start3A_272 = arith.constant 0 : i32
          %dma_start3A_273 = tpu.memref_slice %arg3[%dma_start3A_272, %mul3A_267] : memref<1x8192xi32, #tpu.memory_space<hbm>> -> memref<1x128xi32, #tpu.memory_space<hbm>>
          %dma_start3A_274 = tpu.memref_slice %run_scoped3A_7[%rem3A_265] : memref<2x!tpu.dma_semaphore, #tpu.memory_space<semaphore_mem>> -> memref<1x!tpu.dma_semaphore, #tpu.memory_space<semaphore_mem>>
          %dma_start3A_275 = tpu.memref_squeeze %dma_start3A_274 : memref<1x!tpu.dma_semaphore, #tpu.memory_space<semaphore_mem>> -> memref<!tpu.dma_semaphore, #tpu.memory_space<semaphore_mem>>
          %dma_start3A_276 = arith.constant 0 : i32
          %dma_start3A_277 = arith.constant 0 : i32
          %dma_start3A_278 = tpu.memref_slice %run_scoped3A[%rem3A_265, %dma_start3A_276, %dma_start3A_277] : memref<2x1x128xi32, #tpu.memory_space<vmem>> -> memref<1x1x128xi32, #tpu.memory_space<vmem>>
          %dma_start3A_279 = tpu.memref_squeeze %dma_start3A_278 : memref<1x1x128xi32, #tpu.memory_space<vmem>> -> memref<1x128xi32, #tpu.memory_space<vmem>>
          %dma_start3A_280 = arith.constant 0 : i32
          %dma_start3A_281 = tpu.memref_slice %arg3[%dma_start3A_280, %mul3A_267] : memref<1x8192xi32, #tpu.memory_space<hbm>> -> memref<1x128xi32, #tpu.memory_space<hbm>>
          tpu.enqueue_dma source(%dma_start3A_281 : memref<1x128xi32, #tpu.memory_space<hbm>>) target(%dma_start3A_279 : memref<1x128xi32, #tpu.memory_space<vmem>>) target_semaphore(%dma_start3A_275 : memref<!tpu.dma_semaphore, #tpu.memory_space<semaphore_mem>>)
          "tpu.trace_stop"() : () -> ()
        } else {
        }
        %and3A_163 = arith.constant true
        %and3A_164 = arith.andi %and3A, %and3A_163 : i1
        %add3A_165 = arith.constant 1 : i32
        %add3A_166 = arith.addi %scan3A_122, %add3A_165 : i32
        %select_n3A_167 = arith.select %and3A_164, %add3A_166, %scan3A_122 : i32
        %ne3A_168 = arith.cmpi ne, %add3A_131, %add3A_149 : i32
        %or3A_169 = arith.constant false
        %or3A_170 = arith.ori %or3A_169, %ne3A_168 : i1
        %or3A_171 = arith.constant false
        %or3A_172 = arith.ori %or3A_170, %or3A_171 : i1
        %ge3A_173 = arith.constant 1 : i32
        %ge3A_174 = arith.cmpi sge, %scan3A_121, %ge3A_173 : i32
        %not3A_175 = arith.constant true
        %not3A_176 = arith.xori %ge3A_174, %not3A_175 : i1
        %and3A_177 = arith.andi %or3A_172, %not3A_176 : i1
        %ne3A_178 = arith.cmpi ne, %add3A_131, %add3A_140 : i32
        %or3A_179 = arith.constant false
        %or3A_180 = arith.ori %or3A_179, %ne3A_178 : i1
        %or3A_181 = arith.ori %or3A_180, %eq3A_128 : i1
        %convert_element_type3A_182 = arith.extui %or3A_181 : i1 to i32
        %cond3A_183 = arith.constant 0 : i32
        %cond3A_184 = arith.cmpi ne, %convert_element_type3A_182, %cond3A_183 : i32
        scf.if %cond3A_184 {
          "tpu.trace_start"() <{level = 10 : i32, message = "ep_wait_in"}> : () -> ()
          %mul3A_264 = arith.constant 128 : i32
          %mul3A_265 = arith.muli %mul3A_264, %add3A_131 : i32
          %rem3A_266 = arith.constant 2 : i32
          %rem3A_267 = arith.remui %scan3A_123, %rem3A_266 : i32
          %dma_wait3A_268 = arith.constant 0 : i32
          %dma_wait3A_269 = arith.constant 0 : i32
          %dma_wait3A_270 = tpu.memref_slice %run_scoped3A[%rem3A_267, %dma_wait3A_268, %dma_wait3A_269] : memref<2x1x128xi32, #tpu.memory_space<vmem>> -> memref<1x1x128xi32, #tpu.memory_space<vmem>>
          %dma_wait3A_271 = tpu.memref_squeeze %dma_wait3A_270 : memref<1x1x128xi32, #tpu.memory_space<vmem>> -> memref<1x128xi32, #tpu.memory_space<vmem>>
          %dma_wait3A_272 = arith.constant 0 : i32
          %dma_wait3A_273 = tpu.memref_slice %arg3[%dma_wait3A_272, %mul3A_265] : memref<1x8192xi32, #tpu.memory_space<hbm>> -> memref<1x128xi32, #tpu.memory_space<hbm>>
          %dma_wait3A_274 = tpu.memref_slice %run_scoped3A_7[%rem3A_267] : memref<2x!tpu.dma_semaphore, #tpu.memory_space<semaphore_mem>> -> memref<1x!tpu.dma_semaphore, #tpu.memory_space<semaphore_mem>>
          %dma_wait3A_275 = tpu.memref_squeeze %dma_wait3A_274 : memref<1x!tpu.dma_semaphore, #tpu.memory_space<semaphore_mem>> -> memref<!tpu.dma_semaphore, #tpu.memory_space<semaphore_mem>>
          %dma_wait3A_276 = arith.constant 0 : i32
          %dma_wait3A_277 = arith.constant 0 : i32
          %dma_wait3A_278 = tpu.memref_slice %run_scoped3A[%rem3A_267, %dma_wait3A_276, %dma_wait3A_277] : memref<2x1x128xi32, #tpu.memory_space<vmem>> -> memref<1x1x128xi32, #tpu.memory_space<vmem>>
          %dma_wait3A_279 = tpu.memref_squeeze %dma_wait3A_278 : memref<1x1x128xi32, #tpu.memory_space<vmem>> -> memref<1x128xi32, #tpu.memory_space<vmem>>
          %dma_wait3A_280 = arith.constant 0 : i32
          %dma_wait3A_281 = tpu.memref_slice %arg3[%dma_wait3A_280, %mul3A_265] : memref<1x8192xi32, #tpu.memory_space<hbm>> -> memref<1x128xi32, #tpu.memory_space<hbm>>
          tpu.wait_dma2 semaphore(%dma_wait3A_275 : memref<!tpu.dma_semaphore, #tpu.memory_space<semaphore_mem>>) src(%dma_wait3A_281 : memref<1x128xi32, #tpu.memory_space<hbm>>) dst(%dma_wait3A_279 : memref<1x128xi32, #tpu.memory_space<vmem>>)
          "tpu.trace_stop"() : () -> ()
        } else {
        }
        %ne3A_185 = arith.cmpi ne, %add3A_131, %add3A_140 : i32
        %or3A_186 = arith.constant false
        %or3A_187 = arith.ori %or3A_186, %ne3A_185 : i1
        %or3A_188 = arith.constant false
        %or3A_189 = arith.ori %or3A_187, %or3A_188 : i1
        %or3A_190 = arith.ori %or3A_189, %eq3A_128 : i1
        %convert_element_type3A_191 = arith.extui %or3A_190 : i1 to i32
        %cond3A_192 = arith.constant 0 : i32
        %cond3A_193 = arith.cmpi ne, %convert_element_type3A_191, %cond3A_192 : i32
        scf.if %cond3A_193 {
        } else {
        }
        %rem3A_194 = arith.constant 2 : i32
        %rem3A_195 = arith.remui %scan3A_123, %rem3A_194 : i32
        %rem3A_196 = arith.constant 2 : i32
        %rem3A_197 = arith.remui %scan3A_124, %rem3A_196 : i32
        %run_scoped3A_198 = arith.constant 0 : i32
        "tpu.trace_start"() <{level = 10 : i32, message = "ep_run_kernel"}> : () -> ()
        "tpu.region"() ({
          %run_scoped3A_264 = tpu.sem_alloc : memref<!tpu.dma_semaphore, #tpu.memory_space<semaphore_mem>>
          %dma_start3A_265 = arith.constant 0 : i32
          %dma_start3A_266 = arith.constant 0 : i32
          %dma_start3A_267 = tpu.memref_slice %run_scoped3A_8[%rem3A_197, %dma_start3A_265, %dma_start3A_266] : memref<2x128x256xf32, #tpu.memory_space<vmem>> -> memref<1x128x256xf32, #tpu.memory_space<vmem>>
          %dma_start3A_268 = tpu.memref_squeeze %dma_start3A_267 : memref<1x128x256xf32, #tpu.memory_space<vmem>> -> memref<128x256xf32, #tpu.memory_space<vmem>>
          %dma_start3A_269 = arith.constant 0 : i32
          %dma_start3A_270 = arith.constant 0 : i32
          %dma_start3A_271 = tpu.memref_slice %run_scoped3A[%rem3A_195, %dma_start3A_269, %dma_start3A_270] : memref<2x1x128xi32, #tpu.memory_space<vmem>> -> memref<1x1x128xi32, #tpu.memory_space<vmem>>
          %dma_start3A_272 = tpu.memref_squeeze %dma_start3A_271 : memref<1x1x128xi32, #tpu.memory_space<vmem>> -> memref<1x128xi32, #tpu.memory_space<vmem>>
          %dma_start3A_273 = arith.constant 0 : i32
          %dma_start3A_274 = tpu.memref_slice %dma_start3A_272[%run_scoped3A_198, %dma_start3A_273] : memref<1x128xi32, #tpu.memory_space<vmem>> -> memref<1x128xi32, #tpu.memory_space<vmem>>
          %dma_start3A_275 = tpu.memref_squeeze %dma_start3A_274 : memref<1x128xi32, #tpu.memory_space<vmem>> -> memref<128xi32, #tpu.memory_space<vmem>>
          %dma_start3A_276 = arith.constant 0 : i32
          %dma_start3A_277 = arith.constant 0 : i32
          %dma_start3A_278 = tpu.memref_slice %arg2[%dma_start3A_276, %dma_start3A_277] : memref<8192x256xf32, #tpu.memory_space<hbm>> -> memref<8192x256xf32, #tpu.memory_space<hbm>>
          tpu.enqueue_indirect_dma source(%dma_start3A_278 : memref<8192x256xf32, #tpu.memory_space<hbm>>) target(%dma_start3A_268 : memref<128x256xf32, #tpu.memory_space<vmem>>) offsets(%dma_start3A_275 : memref<128xi32, #tpu.memory_space<vmem>>) semaphore(%run_scoped3A_264 : memref<!tpu.dma_semaphore, #tpu.memory_space<semaphore_mem>>)
          %dma_wait3A_279 = arith.constant 0 : i32
          %dma_wait3A_280 = arith.constant 0 : i32
          %dma_wait3A_281 = tpu.memref_slice %run_scoped3A_8[%rem3A_197, %dma_wait3A_279, %dma_wait3A_280] : memref<2x128x256xf32, #tpu.memory_space<vmem>> -> memref<1x128x256xf32, #tpu.memory_space<vmem>>
          %dma_wait3A_282 = tpu.memref_squeeze %dma_wait3A_281 : memref<1x128x256xf32, #tpu.memory_space<vmem>> -> memref<128x256xf32, #tpu.memory_space<vmem>>
          %dma_wait3A_283 = arith.constant 0 : i32
          %dma_wait3A_284 = arith.constant 0 : i32
          %dma_wait3A_285 = tpu.memref_slice %run_scoped3A[%rem3A_195, %dma_wait3A_283, %dma_wait3A_284] : memref<2x1x128xi32, #tpu.memory_space<vmem>> -> memref<1x1x128xi32, #tpu.memory_space<vmem>>
          %dma_wait3A_286 = tpu.memref_squeeze %dma_wait3A_285 : memref<1x1x128xi32, #tpu.memory_space<vmem>> -> memref<1x128xi32, #tpu.memory_space<vmem>>
          %dma_wait3A_287 = arith.constant 0 : i32
          %dma_wait3A_288 = tpu.memref_slice %dma_wait3A_286[%run_scoped3A_198, %dma_wait3A_287] : memref<1x128xi32, #tpu.memory_space<vmem>> -> memref<1x128xi32, #tpu.memory_space<vmem>>
          %dma_wait3A_289 = tpu.memref_squeeze %dma_wait3A_288 : memref<1x128xi32, #tpu.memory_space<vmem>> -> memref<128xi32, #tpu.memory_space<vmem>>
          %dma_wait3A_290 = arith.constant 0 : i32
          %dma_wait3A_291 = arith.constant 0 : i32
          %dma_wait3A_292 = tpu.memref_slice %arg2[%dma_wait3A_290, %dma_wait3A_291] : memref<8192x256xf32, #tpu.memory_space<hbm>> -> memref<8192x256xf32, #tpu.memory_space<hbm>>
          tpu.wait_indirect_dma semaphore(%run_scoped3A_264 : memref<!tpu.dma_semaphore, #tpu.memory_space<semaphore_mem>>) src(%dma_wait3A_292 : memref<8192x256xf32, #tpu.memory_space<hbm>>) dst(%dma_wait3A_282 : memref<128x256xf32, #tpu.memory_space<vmem>>)
          tpu.yield
        }) : () -> ()
        "tpu.trace_stop"() : () -> ()
        %ne3A_199 = arith.cmpi ne, %add3A_131, %add3A_149 : i32
        %or3A_200 = arith.constant false
        %or3A_201 = arith.ori %or3A_200, %ne3A_199 : i1
        %or3A_202 = arith.ori %or3A_201, %eq3A_130 : i1
        %convert_element_type3A_203 = arith.extui %or3A_202 : i1 to i32
        %cond3A_204 = arith.constant 0 : i32
        %cond3A_205 = arith.cmpi ne, %convert_element_type3A_203, %cond3A_204 : i32
        scf.if %cond3A_205 {
        } else {
        }
        %and3A_206 = arith.constant false
        %and3A_207 = arith.andi %or3A_202, %and3A_206 : i1
        %ne3A_208 = arith.cmpi ne, %add3A_131, %add3A_149 : i32
        %or3A_209 = arith.constant false
        %or3A_210 = arith.ori %or3A_209, %ne3A_208 : i1
        %or3A_211 = arith.constant false
        %or3A_212 = arith.ori %or3A_210, %or3A_211 : i1
        %or3A_213 = arith.ori %or3A_212, %eq3A_130 : i1
        %convert_element_type3A_214 = arith.extui %or3A_213 : i1 to i32
        %cond3A_215 = arith.constant 0 : i32
        %cond3A_216 = arith.cmpi ne, %convert_element_type3A_214, %cond3A_215 : i32
        scf.if %cond3A_216 {
          "tpu.trace_start"() <{level = 10 : i32, message = "ep_copy_out"}> : () -> ()
          %rem3A_264 = arith.constant 2 : i32
          %rem3A_265 = arith.remui %scan3A_124, %rem3A_264 : i32
          %mul3A_266 = arith.constant 128 : i32
          %mul3A_267 = arith.muli %mul3A_266, %add3A_131 : i32
          %dma_start3A_268 = arith.constant 0 : i32
          %dma_start3A_269 = arith.constant 0 : i32
          %dma_start3A_270 = tpu.memref_slice %run_scoped3A_8[%rem3A_265, %dma_start3A_268, %dma_start3A_269] : memref<2x128x256xf32, #tpu.memory_space<vmem>> -> memref<1x128x256xf32, #tpu.memory_space<vmem>>
          %dma_start3A_271 = tpu.memref_squeeze %dma_start3A_270 : memref<1x128x256xf32, #tpu.memory_space<vmem>> -> memref<128x256xf32, #tpu.memory_space<vmem>>
          %dma_start3A_272 = arith.constant 0 : i32
          %dma_start3A_273 = tpu.memref_slice %arg4[%mul3A_267, %dma_start3A_272] : memref<8192x256xf32, #tpu.memory_space<hbm>> -> memref<128x256xf32, #tpu.memory_space<hbm>>
          %dma_start3A_274 = tpu.memref_slice %run_scoped3A_9[%rem3A_265] : memref<2x!tpu.dma_semaphore, #tpu.memory_space<semaphore_mem>> -> memref<1x!tpu.dma_semaphore, #tpu.memory_space<semaphore_mem>>
          %dma_start3A_275 = tpu.memref_squeeze %dma_start3A_274 : memref<1x!tpu.dma_semaphore, #tpu.memory_space<semaphore_mem>> -> memref<!tpu.dma_semaphore, #tpu.memory_space<semaphore_mem>>
          %dma_start3A_276 = arith.constant 0 : i32
          %dma_start3A_277 = tpu.memref_slice %arg4[%mul3A_267, %dma_start3A_276] : memref<8192x256xf32, #tpu.memory_space<hbm>> -> memref<128x256xf32, #tpu.memory_space<hbm>>
          %dma_start3A_278 = arith.constant 0 : i32
          %dma_start3A_279 = arith.constant 0 : i32
          %dma_start3A_280 = tpu.memref_slice %run_scoped3A_8[%rem3A_265, %dma_start3A_278, %dma_start3A_279] : memref<2x128x256xf32, #tpu.memory_space<vmem>> -> memref<1x128x256xf32, #tpu.memory_space<vmem>>
          %dma_start3A_281 = tpu.memref_squeeze %dma_start3A_280 : memref<1x128x256xf32, #tpu.memory_space<vmem>> -> memref<128x256xf32, #tpu.memory_space<vmem>>
          tpu.enqueue_dma source(%dma_start3A_281 : memref<128x256xf32, #tpu.memory_space<vmem>>) target(%dma_start3A_277 : memref<128x256xf32, #tpu.memory_space<hbm>>) target_semaphore(%dma_start3A_275 : memref<!tpu.dma_semaphore, #tpu.memory_space<semaphore_mem>>)
          "tpu.trace_stop"() : () -> ()
        } else {
        }
        %and3A_217 = arith.constant true
        %and3A_218 = arith.andi %or3A_213, %and3A_217 : i1
        %add3A_219 = arith.constant 1 : i32
        %add3A_220 = arith.addi %scan3A_124, %add3A_219 : i32
        %select_n3A_221 = arith.select %and3A_218, %add3A_220, %scan3A_124 : i32
        %ne3A_222 = arith.cmpi ne, %add3A_131, %add3A_140 : i32
        %or3A_223 = arith.constant false
        %or3A_224 = arith.ori %or3A_223, %ne3A_222 : i1
        %not3A_225 = arith.constant true
        %not3A_226 = arith.xori %eq3A_128, %not3A_225 : i1
        %and3A_227 = arith.andi %or3A_224, %not3A_226 : i1
        %convert_element_type3A_228 = arith.extui %and3A_227 : i1 to i32
        %cond3A_229 = arith.constant 0 : i32
        %cond3A_230 = arith.cmpi ne, %convert_element_type3A_228, %cond3A_229 : i32
        scf.if %cond3A_230 {
        } else {
        }
        %and3A_231 = arith.constant false
        %and3A_232 = arith.andi %and3A_227, %and3A_231 : i1
        %ne3A_233 = arith.cmpi ne, %add3A_131, %add3A_140 : i32
        %or3A_234 = arith.constant false
        %or3A_235 = arith.ori %or3A_234, %ne3A_233 : i1
        %or3A_236 = arith.constant false
        %or3A_237 = arith.ori %or3A_235, %or3A_236 : i1
        %not3A_238 = arith.constant true
        %not3A_239 = arith.xori %eq3A_128, %not3A_238 : i1
        %and3A_240 = arith.andi %or3A_237, %not3A_239 : i1
        %convert_element_type3A_241 = arith.extui %and3A_240 : i1 to i32
        %cond3A_242 = arith.constant 0 : i32
        %cond3A_243 = arith.cmpi ne, %convert_element_type3A_241, %cond3A_242 : i32
        scf.if %cond3A_243 {
          "tpu.trace_start"() <{level = 10 : i32, message = "ep_wait_out"}> : () -> ()
          %rem3A_264 = arith.constant 2 : i32
          %rem3A_265 = arith.remui %scan3A_125, %rem3A_264 : i32
          %mul3A_266 = arith.constant 128 : i32
          %mul3A_267 = arith.muli %mul3A_266, %add3A_140 : i32
          %dma_wait3A_268 = arith.constant 0 : i32
          %dma_wait3A_269 = arith.constant 0 : i32
          %dma_wait3A_270 = tpu.memref_slice %run_scoped3A_8[%rem3A_265, %dma_wait3A_268, %dma_wait3A_269] : memref<2x128x256xf32, #tpu.memory_space<vmem>> -> memref<1x128x256xf32, #tpu.memory_space<vmem>>
          %dma_wait3A_271 = tpu.memref_squeeze %dma_wait3A_270 : memref<1x128x256xf32, #tpu.memory_space<vmem>> -> memref<128x256xf32, #tpu.memory_space<vmem>>
          %dma_wait3A_272 = arith.constant 0 : i32
          %dma_wait3A_273 = tpu.memref_slice %arg4[%mul3A_267, %dma_wait3A_272] : memref<8192x256xf32, #tpu.memory_space<hbm>> -> memref<128x256xf32, #tpu.memory_space<hbm>>
          %dma_wait3A_274 = tpu.memref_slice %run_scoped3A_9[%rem3A_265] : memref<2x!tpu.dma_semaphore, #tpu.memory_space<semaphore_mem>> -> memref<1x!tpu.dma_semaphore, #tpu.memory_space<semaphore_mem>>
          %dma_wait3A_275 = tpu.memref_squeeze %dma_wait3A_274 : memref<1x!tpu.dma_semaphore, #tpu.memory_space<semaphore_mem>> -> memref<!tpu.dma_semaphore, #tpu.memory_space<semaphore_mem>>
          %dma_wait3A_276 = arith.constant 0 : i32
          %dma_wait3A_277 = tpu.memref_slice %arg4[%mul3A_267, %dma_wait3A_276] : memref<8192x256xf32, #tpu.memory_space<hbm>> -> memref<128x256xf32, #tpu.memory_space<hbm>>
          %dma_wait3A_278 = arith.constant 0 : i32
          %dma_wait3A_279 = arith.constant 0 : i32
          %dma_wait3A_280 = tpu.memref_slice %run_scoped3A_8[%rem3A_265, %dma_wait3A_278, %dma_wait3A_279] : memref<2x128x256xf32, #tpu.memory_space<vmem>> -> memref<1x128x256xf32, #tpu.memory_space<vmem>>
          %dma_wait3A_281 = tpu.memref_squeeze %dma_wait3A_280 : memref<1x128x256xf32, #tpu.memory_space<vmem>> -> memref<128x256xf32, #tpu.memory_space<vmem>>
          tpu.wait_dma2 semaphore(%dma_wait3A_275 : memref<!tpu.dma_semaphore, #tpu.memory_space<semaphore_mem>>) src(%dma_wait3A_281 : memref<128x256xf32, #tpu.memory_space<vmem>>) dst(%dma_wait3A_277 : memref<128x256xf32, #tpu.memory_space<hbm>>)
          "tpu.trace_stop"() : () -> ()
        } else {
        }
        %and3A_244 = arith.constant true
        %and3A_245 = arith.andi %and3A_240, %and3A_244 : i1
        %add3A_246 = arith.constant 1 : i32
        %add3A_247 = arith.addi %scan3A_125, %add3A_246 : i32
        %select_n3A_248 = arith.select %and3A_245, %add3A_247, %scan3A_125 : i32
        %ne3A_249 = arith.cmpi ne, %add3A_131, %add3A_149 : i32
        %or3A_250 = arith.constant false
        %or3A_251 = arith.ori %or3A_250, %ne3A_249 : i1
        %or3A_252 = arith.ori %or3A_251, %eq3A_130 : i1
        %add3A_253 = arith.constant 1 : i32
        %add3A_254 = arith.addi %scan3A_123, %add3A_253 : i32
        %select_n3A_255 = arith.select %or3A_252, %add3A_254, %scan3A_123 : i32
        %add3A_256 = arith.constant 1 : i32
        %add3A_257 = arith.addi %scan3A_126, %add3A_256 : i32
        %select_n3A_258 = arith.constant true
        %select_n3A_259 = arith.select %select_n3A_258, %add3A_257, %scan3A_126 : i32
        %eq3A_260 = arith.constant 2 : i32
        %eq3A_261 = arith.cmpi eq, %select_n3A_259, %eq3A_260 : i32
        %select_n3A_262 = arith.constant 0 : i32
        %select_n3A_263 = arith.select %eq3A_261, %select_n3A_262, %select_n3A_259 : i32
        scf.yield %select_n3A_167, %select_n3A_255, %select_n3A_221, %select_n3A_248, %select_n3A_263 : i32, i32, i32, i32, i32
      }
      %scan3A_68 = arith.constant 2 : i32
      %sub3A = arith.constant 1 : i32
      %sub3A_69 = arith.subi %scan3A_67#4, %sub3A : i32
      %select_n3A_70 = arith.constant true
      %select_n3A_71 = arith.select %select_n3A_70, %sub3A_69, %scan3A_67#4 : i32
      %eq3A_72 = arith.constant -1 : i32
      %eq3A_73 = arith.cmpi eq, %select_n3A_71, %eq3A_72 : i32
      %select_n3A_74 = arith.constant 1 : i32
      %select_n3A_75 = arith.select %eq3A_73, %select_n3A_74, %select_n3A_71 : i32
      %add3A_76 = arith.addi %select_n3A_75, %mul3A_6 : i32
      %sub3A_77 = arith.constant 1 : i32
      %sub3A_78 = arith.subi %select_n3A_75, %sub3A_77 : i32
      %select_n3A_79 = arith.constant true
      %select_n3A_80 = arith.select %select_n3A_79, %sub3A_78, %select_n3A_75 : i32
      %eq3A_81 = arith.constant -1 : i32
      %eq3A_82 = arith.cmpi eq, %select_n3A_80, %eq3A_81 : i32
      %select_n3A_83 = arith.constant 1 : i32
      %select_n3A_84 = arith.select %eq3A_82, %select_n3A_83, %select_n3A_80 : i32
      %add3A_85 = arith.addi %select_n3A_84, %mul3A_6 : i32
      %add3A_86 = arith.constant 1 : i32
      %add3A_87 = arith.addi %select_n3A_75, %add3A_86 : i32
      %select_n3A_88 = arith.constant true
      %select_n3A_89 = arith.select %select_n3A_88, %add3A_87, %select_n3A_75 : i32
      %eq3A_90 = arith.constant 2 : i32
      %eq3A_91 = arith.cmpi eq, %select_n3A_89, %eq3A_90 : i32
      %select_n3A_92 = arith.constant 0 : i32
      %select_n3A_93 = arith.select %eq3A_91, %select_n3A_92, %select_n3A_89 : i32
      %add3A_94 = arith.addi %select_n3A_93, %mul3A_6 : i32
      %add3A_95 = arith.constant 1 : i32
      %add3A_96 = arith.addi %select_n3A_93, %add3A_95 : i32
      %select_n3A_97 = arith.constant true
      %select_n3A_98 = arith.select %select_n3A_97, %add3A_96, %select_n3A_93 : i32
      %eq3A_99 = arith.constant 2 : i32
      %eq3A_100 = arith.cmpi eq, %select_n3A_98, %eq3A_99 : i32
      %select_n3A_101 = arith.constant 0 : i32
      %select_n3A_102 = arith.select %eq3A_100, %select_n3A_101, %select_n3A_98 : i32
      %add3A_103 = arith.addi %select_n3A_102, %mul3A_6 : i32
      "tpu.trace_start"() <{level = 10 : i32, message = "ep_finalize"}> : () -> ()
      %rem3A_104 = arith.constant 2 : i32
      %rem3A_105 = arith.remui %scan3A_67#3, %rem3A_104 : i32
      %mul3A_106 = arith.constant 128 : i32
      %mul3A_107 = arith.muli %mul3A_106, %add3A_76 : i32
      %dma_wait3A = arith.constant 0 : i32
      %dma_wait3A_108 = arith.constant 0 : i32
      %dma_wait3A_109 = tpu.memref_slice %run_scoped3A_8[%rem3A_105, %dma_wait3A, %dma_wait3A_108] : memref<2x128x256xf32, #tpu.memory_space<vmem>> -> memref<1x128x256xf32, #tpu.memory_space<vmem>>
      %dma_wait3A_110 = tpu.memref_squeeze %dma_wait3A_109 : memref<1x128x256xf32, #tpu.memory_space<vmem>> -> memref<128x256xf32, #tpu.memory_space<vmem>>
      %dma_wait3A_111 = arith.constant 0 : i32
      %dma_wait3A_112 = tpu.memref_slice %arg4[%mul3A_107, %dma_wait3A_111] : memref<8192x256xf32, #tpu.memory_space<hbm>> -> memref<128x256xf32, #tpu.memory_space<hbm>>
      %dma_wait3A_113 = tpu.memref_slice %run_scoped3A_9[%rem3A_105] : memref<2x!tpu.dma_semaphore, #tpu.memory_space<semaphore_mem>> -> memref<1x!tpu.dma_semaphore, #tpu.memory_space<semaphore_mem>>
      %dma_wait3A_114 = tpu.memref_squeeze %dma_wait3A_113 : memref<1x!tpu.dma_semaphore, #tpu.memory_space<semaphore_mem>> -> memref<!tpu.dma_semaphore, #tpu.memory_space<semaphore_mem>>
      %dma_wait3A_115 = arith.constant 0 : i32
      %dma_wait3A_116 = tpu.memref_slice %arg4[%mul3A_107, %dma_wait3A_115] : memref<8192x256xf32, #tpu.memory_space<hbm>> -> memref<128x256xf32, #tpu.memory_space<hbm>>
      %dma_wait3A_117 = arith.constant 0 : i32
      %dma_wait3A_118 = arith.constant 0 : i32
      %dma_wait3A_119 = tpu.memref_slice %run_scoped3A_8[%rem3A_105, %dma_wait3A_117, %dma_wait3A_118] : memref<2x128x256xf32, #tpu.memory_space<vmem>> -> memref<1x128x256xf32, #tpu.memory_space<vmem>>
      %dma_wait3A_120 = tpu.memref_squeeze %dma_wait3A_119 : memref<1x128x256xf32, #tpu.memory_space<vmem>> -> memref<128x256xf32, #tpu.memory_space<vmem>>
      tpu.wait_dma2 semaphore(%dma_wait3A_114 : memref<!tpu.dma_semaphore, #tpu.memory_space<semaphore_mem>>) src(%dma_wait3A_120 : memref<128x256xf32, #tpu.memory_space<vmem>>) dst(%dma_wait3A_116 : memref<128x256xf32, #tpu.memory_space<hbm>>)
      "tpu.trace_stop"() : () -> ()
      tpu.yield
    }) : () -> ()
    return
  }
}

module attributes {stable_mosaic.version = 14 : i64} {
  func.func @_argmin_body(%arg0: i32, %arg1: memref<1x8192xf32, #tpu.memory_space<vmem>>, %arg2: memref<1x256x256xf32, #tpu.memory_space<vmem>>, %arg3: memref<8192x256xf32, #tpu.memory_space<vmem>>, %arg4: memref<1x1x256xi32, #tpu.memory_space<vmem>>) attributes {dimension_semantics = [#tpu.dimension_semantics<arbitrary>], iteration_bounds = array<i64: 32>, scalar_prefetch = 0 : i64, scratch_operands = 0 : i64, tpu.core_type = #tpu.core_type<tc>, window_params = [{pipeline_mode = #tpu.pipeline_mode<synchronous>, transform_indices = @transform_0, window_bounds = array<i64: 1, 8192>}, {transform_indices = @transform_1, window_bounds = array<i64: 1, 256, 256>}, {pipeline_mode = #tpu.pipeline_mode<synchronous>, transform_indices = @transform_2, window_bounds = array<i64: 8192, 256>}, {transform_indices = @transform_3, window_bounds = array<i64: 1, 1, 256>}]} {
    %get3A = arith.constant 0 : index
    %get3A_0 = arith.constant 0 : index
    %get3A_1 = arith.constant 0 : index
    %get3A_2 = vector.load %arg2[%get3A, %get3A_0, %get3A_1] : memref<1x256x256xf32, #tpu.memory_space<vmem>>, vector<1x256x256xf32>
    %get3A_3 = vector.shape_cast %get3A_2 : vector<1x256x256xf32> to vector<256x256xf32>
    %transpose3A = tpu.transpose %get3A_3, [1, 0] : vector<256x256xf32> -> vector<256x256xf32>
    %integer_pow3A = arith.mulf %transpose3A, %transpose3A : vector<256x256xf32>
    %reduce_sum3A = arith.constant dense<0.000000e+00> : vector<256xf32>
    %reduce_sum3A_4 = vector.multi_reduction <add>, %integer_pow3A, %reduce_sum3A [1] : vector<256x256xf32> to vector<256xf32>
    %broadcast_in_dim3A = vector.shape_cast %reduce_sum3A_4 : vector<256xf32> to vector<256x1xf32>
    %mul3A = arith.constant 2.000000e+00 : f32
    %mul3A_5 = vector.broadcast %mul3A : f32 to vector<256x256xf32>
    %mul3A_6 = arith.mulf %transpose3A, %mul3A_5 : vector<256x256xf32>
    %iota3A = tpu.iota {dimensions = array<i32: 1>} : vector<256x128xi32>
    %convert_element_type3A = arith.sitofp %iota3A : vector<256x128xi32> to vector<256x128xf32>
    %get3A_7 = arith.constant 0 : index
    %get3A_8 = arith.constant 0 : index
    %get3A_9 = vector.load %arg3[%get3A_7, %get3A_8] : memref<8192x256xf32, #tpu.memory_space<vmem>>, vector<1024x256xf32>
    %dot_general3A = arith.constant dense<0.000000e+00> : vector<256x1024xf32>
    %dot_general3A_10 = tpu.matmul %mul3A_6, %get3A_9, %dot_general3A {dimension_numbers = #tpu.dot_dimension_numbers<[1], [1], [0], [0], [0, 0, 1, 0], [], []>, transpose_lhs_hint = false} : vector<256x256xf32>, vector<1024x256xf32>, vector<256x1024xf32> -> vector<256x1024xf32>
    %get3A_11 = arith.constant 0 : index
    %get3A_12 = arith.constant 0 : index
    %get3A_13 = vector.load %arg1[%get3A_11, %get3A_12] : memref<1x8192xf32, #tpu.memory_space<vmem>>, vector<1x1024xf32>
    %add3A = vector.broadcast %broadcast_in_dim3A : vector<256x1xf32> to vector<256x1024xf32>
    %add3A_14 = vector.broadcast %get3A_13 : vector<1x1024xf32> to vector<256x1024xf32>
    %add3A_15 = arith.addf %add3A, %add3A_14 : vector<256x1024xf32>
    %sub3A = arith.subf %add3A_15, %dot_general3A_10 : vector<256x1024xf32>
    %slice3A = vector.extract_strided_slice %sub3A {offsets = [0, 0], sizes = [256, 128], strides = [1, 1]} : vector<256x1024xf32> to vector<256x128xf32>
    %slice3A_16 = vector.extract_strided_slice %sub3A {offsets = [0, 128], sizes = [256, 128], strides = [1, 1]} : vector<256x1024xf32> to vector<256x128xf32>
    %slice3A_17 = vector.extract_strided_slice %sub3A {offsets = [0, 256], sizes = [256, 128], strides = [1, 1]} : vector<256x1024xf32> to vector<256x128xf32>
    %slice3A_18 = vector.extract_strided_slice %sub3A {offsets = [0, 384], sizes = [256, 128], strides = [1, 1]} : vector<256x1024xf32> to vector<256x128xf32>
    %slice3A_19 = vector.extract_strided_slice %sub3A {offsets = [0, 512], sizes = [256, 128], strides = [1, 1]} : vector<256x1024xf32> to vector<256x128xf32>
    %slice3A_20 = vector.extract_strided_slice %sub3A {offsets = [0, 640], sizes = [256, 128], strides = [1, 1]} : vector<256x1024xf32> to vector<256x128xf32>
    %slice3A_21 = vector.extract_strided_slice %sub3A {offsets = [0, 768], sizes = [256, 128], strides = [1, 1]} : vector<256x1024xf32> to vector<256x128xf32>
    %slice3A_22 = vector.extract_strided_slice %sub3A {offsets = [0, 896], sizes = [256, 128], strides = [1, 1]} : vector<256x1024xf32> to vector<256x128xf32>
    %lt3A = arith.cmpf olt, %slice3A_16, %slice3A : vector<256x128xf32>
    %lt3A_23 = arith.cmpf olt, %slice3A_18, %slice3A_17 : vector<256x128xf32>
    %lt3A_24 = arith.cmpf olt, %slice3A_20, %slice3A_19 : vector<256x128xf32>
    %lt3A_25 = arith.cmpf olt, %slice3A_22, %slice3A_21 : vector<256x128xf32>
    %select_n3A = arith.select %lt3A, %slice3A_16, %slice3A : vector<256x128xi1>, vector<256x128xf32>
    %jit3A = arith.constant 1.000000e+00 : f32
    %jit3A_26 = arith.constant 0.000000e+00 : f32
    %broadcast_in_dim3A_27 = vector.broadcast %jit3A : f32 to vector<256x128xf32>
    %broadcast_in_dim3A_28 = vector.broadcast %jit3A_26 : f32 to vector<256x128xf32>
    %select_n3A_29 = arith.select %lt3A, %broadcast_in_dim3A_27, %broadcast_in_dim3A_28 : vector<256x128xi1>, vector<256x128xf32>
    %select_n3A_30 = arith.select %lt3A_23, %slice3A_18, %slice3A_17 : vector<256x128xi1>, vector<256x128xf32>
    %jit3A_31 = arith.constant 3.000000e+00 : f32
    %jit3A_32 = arith.constant 2.000000e+00 : f32
    %broadcast_in_dim3A_33 = vector.broadcast %jit3A_31 : f32 to vector<256x128xf32>
    %broadcast_in_dim3A_34 = vector.broadcast %jit3A_32 : f32 to vector<256x128xf32>
    %select_n3A_35 = arith.select %lt3A_23, %broadcast_in_dim3A_33, %broadcast_in_dim3A_34 : vector<256x128xi1>, vector<256x128xf32>
    %select_n3A_36 = arith.select %lt3A_24, %slice3A_20, %slice3A_19 : vector<256x128xi1>, vector<256x128xf32>
    %jit3A_37 = arith.constant 5.000000e+00 : f32
    %jit3A_38 = arith.constant 4.000000e+00 : f32
    %broadcast_in_dim3A_39 = vector.broadcast %jit3A_37 : f32 to vector<256x128xf32>
    %broadcast_in_dim3A_40 = vector.broadcast %jit3A_38 : f32 to vector<256x128xf32>
    %select_n3A_41 = arith.select %lt3A_24, %broadcast_in_dim3A_39, %broadcast_in_dim3A_40 : vector<256x128xi1>, vector<256x128xf32>
    %select_n3A_42 = arith.select %lt3A_25, %slice3A_22, %slice3A_21 : vector<256x128xi1>, vector<256x128xf32>
    %jit3A_43 = arith.constant 7.000000e+00 : f32
    %jit3A_44 = arith.constant 6.000000e+00 : f32
    %broadcast_in_dim3A_45 = vector.broadcast %jit3A_43 : f32 to vector<256x128xf32>
    %broadcast_in_dim3A_46 = vector.broadcast %jit3A_44 : f32 to vector<256x128xf32>
    %select_n3A_47 = arith.select %lt3A_25, %broadcast_in_dim3A_45, %broadcast_in_dim3A_46 : vector<256x128xi1>, vector<256x128xf32>
    %lt3A_48 = arith.cmpf olt, %select_n3A_30, %select_n3A : vector<256x128xf32>
    %lt3A_49 = arith.cmpf olt, %select_n3A_42, %select_n3A_36 : vector<256x128xf32>
    %select_n3A_50 = arith.select %lt3A_48, %select_n3A_30, %select_n3A : vector<256x128xi1>, vector<256x128xf32>
    %select_n3A_51 = arith.select %lt3A_48, %select_n3A_35, %select_n3A_29 : vector<256x128xi1>, vector<256x128xf32>
    %select_n3A_52 = arith.select %lt3A_49, %select_n3A_42, %select_n3A_36 : vector<256x128xi1>, vector<256x128xf32>
    %select_n3A_53 = arith.select %lt3A_49, %select_n3A_47, %select_n3A_41 : vector<256x128xi1>, vector<256x128xf32>
    %lt3A_54 = arith.cmpf olt, %select_n3A_52, %select_n3A_50 : vector<256x128xf32>
    %select_n3A_55 = arith.select %lt3A_54, %select_n3A_52, %select_n3A_50 : vector<256x128xi1>, vector<256x128xf32>
    %select_n3A_56 = arith.select %lt3A_54, %select_n3A_53, %select_n3A_51 : vector<256x128xi1>, vector<256x128xf32>
    %mul3A_57 = arith.constant 1.280000e+02 : f32
    %mul3A_58 = vector.broadcast %mul3A_57 : f32 to vector<256x128xf32>
    %mul3A_59 = arith.mulf %select_n3A_56, %mul3A_58 : vector<256x128xf32>
    %add3A_60 = arith.addf %mul3A_59, %convert_element_type3A : vector<256x128xf32>
    %reduce_min3A = arith.constant dense<0x7F800000> : vector<256xf32>
    %reduce_min3A_61 = vector.multi_reduction <minimumf>, %select_n3A_55, %reduce_min3A [1] : vector<256x128xf32> to vector<256xf32>
    %broadcast_in_dim3A_62 = vector.shape_cast %reduce_min3A_61 : vector<256xf32> to vector<256x1xf32>
    %eq3A = vector.broadcast %broadcast_in_dim3A_62 : vector<256x1xf32> to vector<256x128xf32>
    %eq3A_63 = arith.cmpf oeq, %select_n3A_55, %eq3A : vector<256x128xf32>
    %jit3A_64 = arith.constant 8.192000e+03 : f32
    %broadcast_in_dim3A_65 = vector.broadcast %jit3A_64 : f32 to vector<256x128xf32>
    %select_n3A_66 = arith.select %eq3A_63, %add3A_60, %broadcast_in_dim3A_65 : vector<256x128xi1>, vector<256x128xf32>
    %reduce_min3A_67 = arith.constant dense<0x7F800000> : vector<256xf32>
    %reduce_min3A_68 = vector.multi_reduction <minimumf>, %select_n3A_66, %reduce_min3A_67 [1] : vector<256x128xf32> to vector<256xf32>
    %broadcast_in_dim3A_69 = vector.shape_cast %reduce_min3A_68 : vector<256xf32> to vector<256x1xf32>
    %convert_element_type3A_70 = arith.fptosi %broadcast_in_dim3A_69 : vector<256x1xf32> to vector<256x1xi32>
    %add3A_71 = arith.constant 0 : i32
    %add3A_72 = vector.broadcast %add3A_71 : i32 to vector<256x1xi32>
    %add3A_73 = arith.addi %convert_element_type3A_70, %add3A_72 : vector<256x1xi32>
    %get3A_74 = arith.constant 1024 : index
    %get3A_75 = arith.constant 0 : index
    %get3A_76 = vector.load %arg3[%get3A_74, %get3A_75] : memref<8192x256xf32, #tpu.memory_space<vmem>>, vector<1024x256xf32>
    %dot_general3A_77 = arith.constant dense<0.000000e+00> : vector<256x1024xf32>
    %dot_general3A_78 = tpu.matmul %mul3A_6, %get3A_76, %dot_general3A_77 {dimension_numbers = #tpu.dot_dimension_numbers<[1], [1], [0], [0], [0, 0, 1, 0], [], []>, transpose_lhs_hint = false} : vector<256x256xf32>, vector<1024x256xf32>, vector<256x1024xf32> -> vector<256x1024xf32>
    %get3A_79 = arith.constant 0 : index
    %get3A_80 = arith.constant 1024 : index
    %get3A_81 = vector.load %arg1[%get3A_79, %get3A_80] : memref<1x8192xf32, #tpu.memory_space<vmem>>, vector<1x1024xf32>
    %add3A_82 = vector.broadcast %broadcast_in_dim3A : vector<256x1xf32> to vector<256x1024xf32>
    %add3A_83 = vector.broadcast %get3A_81 : vector<1x1024xf32> to vector<256x1024xf32>
    %add3A_84 = arith.addf %add3A_82, %add3A_83 : vector<256x1024xf32>
    %sub3A_85 = arith.subf %add3A_84, %dot_general3A_78 : vector<256x1024xf32>
    %slice3A_86 = vector.extract_strided_slice %sub3A_85 {offsets = [0, 0], sizes = [256, 128], strides = [1, 1]} : vector<256x1024xf32> to vector<256x128xf32>
    %slice3A_87 = vector.extract_strided_slice %sub3A_85 {offsets = [0, 128], sizes = [256, 128], strides = [1, 1]} : vector<256x1024xf32> to vector<256x128xf32>
    %slice3A_88 = vector.extract_strided_slice %sub3A_85 {offsets = [0, 256], sizes = [256, 128], strides = [1, 1]} : vector<256x1024xf32> to vector<256x128xf32>
    %slice3A_89 = vector.extract_strided_slice %sub3A_85 {offsets = [0, 384], sizes = [256, 128], strides = [1, 1]} : vector<256x1024xf32> to vector<256x128xf32>
    %slice3A_90 = vector.extract_strided_slice %sub3A_85 {offsets = [0, 512], sizes = [256, 128], strides = [1, 1]} : vector<256x1024xf32> to vector<256x128xf32>
    %slice3A_91 = vector.extract_strided_slice %sub3A_85 {offsets = [0, 640], sizes = [256, 128], strides = [1, 1]} : vector<256x1024xf32> to vector<256x128xf32>
    %slice3A_92 = vector.extract_strided_slice %sub3A_85 {offsets = [0, 768], sizes = [256, 128], strides = [1, 1]} : vector<256x1024xf32> to vector<256x128xf32>
    %slice3A_93 = vector.extract_strided_slice %sub3A_85 {offsets = [0, 896], sizes = [256, 128], strides = [1, 1]} : vector<256x1024xf32> to vector<256x128xf32>
    %lt3A_94 = arith.cmpf olt, %slice3A_87, %slice3A_86 : vector<256x128xf32>
    %lt3A_95 = arith.cmpf olt, %slice3A_89, %slice3A_88 : vector<256x128xf32>
    %lt3A_96 = arith.cmpf olt, %slice3A_91, %slice3A_90 : vector<256x128xf32>
    %lt3A_97 = arith.cmpf olt, %slice3A_93, %slice3A_92 : vector<256x128xf32>
    %select_n3A_98 = arith.select %lt3A_94, %slice3A_87, %slice3A_86 : vector<256x128xi1>, vector<256x128xf32>
    %jit3A_99 = arith.constant 1.000000e+00 : f32
    %jit3A_100 = arith.constant 0.000000e+00 : f32
    %broadcast_in_dim3A_101 = vector.broadcast %jit3A_99 : f32 to vector<256x128xf32>
    %broadcast_in_dim3A_102 = vector.broadcast %jit3A_100 : f32 to vector<256x128xf32>
    %select_n3A_103 = arith.select %lt3A_94, %broadcast_in_dim3A_101, %broadcast_in_dim3A_102 : vector<256x128xi1>, vector<256x128xf32>
    %select_n3A_104 = arith.select %lt3A_95, %slice3A_89, %slice3A_88 : vector<256x128xi1>, vector<256x128xf32>
    %jit3A_105 = arith.constant 3.000000e+00 : f32
    %jit3A_106 = arith.constant 2.000000e+00 : f32
    %broadcast_in_dim3A_107 = vector.broadcast %jit3A_105 : f32 to vector<256x128xf32>
    %broadcast_in_dim3A_108 = vector.broadcast %jit3A_106 : f32 to vector<256x128xf32>
    %select_n3A_109 = arith.select %lt3A_95, %broadcast_in_dim3A_107, %broadcast_in_dim3A_108 : vector<256x128xi1>, vector<256x128xf32>
    %select_n3A_110 = arith.select %lt3A_96, %slice3A_91, %slice3A_90 : vector<256x128xi1>, vector<256x128xf32>
    %jit3A_111 = arith.constant 5.000000e+00 : f32
    %jit3A_112 = arith.constant 4.000000e+00 : f32
    %broadcast_in_dim3A_113 = vector.broadcast %jit3A_111 : f32 to vector<256x128xf32>
    %broadcast_in_dim3A_114 = vector.broadcast %jit3A_112 : f32 to vector<256x128xf32>
    %select_n3A_115 = arith.select %lt3A_96, %broadcast_in_dim3A_113, %broadcast_in_dim3A_114 : vector<256x128xi1>, vector<256x128xf32>
    %select_n3A_116 = arith.select %lt3A_97, %slice3A_93, %slice3A_92 : vector<256x128xi1>, vector<256x128xf32>
    %jit3A_117 = arith.constant 7.000000e+00 : f32
    %jit3A_118 = arith.constant 6.000000e+00 : f32
    %broadcast_in_dim3A_119 = vector.broadcast %jit3A_117 : f32 to vector<256x128xf32>
    %broadcast_in_dim3A_120 = vector.broadcast %jit3A_118 : f32 to vector<256x128xf32>
    %select_n3A_121 = arith.select %lt3A_97, %broadcast_in_dim3A_119, %broadcast_in_dim3A_120 : vector<256x128xi1>, vector<256x128xf32>
    %lt3A_122 = arith.cmpf olt, %select_n3A_104, %select_n3A_98 : vector<256x128xf32>
    %lt3A_123 = arith.cmpf olt, %select_n3A_116, %select_n3A_110 : vector<256x128xf32>
    %select_n3A_124 = arith.select %lt3A_122, %select_n3A_104, %select_n3A_98 : vector<256x128xi1>, vector<256x128xf32>
    %select_n3A_125 = arith.select %lt3A_122, %select_n3A_109, %select_n3A_103 : vector<256x128xi1>, vector<256x128xf32>
    %select_n3A_126 = arith.select %lt3A_123, %select_n3A_116, %select_n3A_110 : vector<256x128xi1>, vector<256x128xf32>
    %select_n3A_127 = arith.select %lt3A_123, %select_n3A_121, %select_n3A_115 : vector<256x128xi1>, vector<256x128xf32>
    %lt3A_128 = arith.cmpf olt, %select_n3A_126, %select_n3A_124 : vector<256x128xf32>
    %select_n3A_129 = arith.select %lt3A_128, %select_n3A_126, %select_n3A_124 : vector<256x128xi1>, vector<256x128xf32>
    %select_n3A_130 = arith.select %lt3A_128, %select_n3A_127, %select_n3A_125 : vector<256x128xi1>, vector<256x128xf32>
    %mul3A_131 = arith.constant 1.280000e+02 : f32
    %mul3A_132 = vector.broadcast %mul3A_131 : f32 to vector<256x128xf32>
    %mul3A_133 = arith.mulf %select_n3A_130, %mul3A_132 : vector<256x128xf32>
    %add3A_134 = arith.addf %mul3A_133, %convert_element_type3A : vector<256x128xf32>
    %reduce_min3A_135 = arith.constant dense<0x7F800000> : vector<256xf32>
    %reduce_min3A_136 = vector.multi_reduction <minimumf>, %select_n3A_129, %reduce_min3A_135 [1] : vector<256x128xf32> to vector<256xf32>
    %broadcast_in_dim3A_137 = vector.shape_cast %reduce_min3A_136 : vector<256xf32> to vector<256x1xf32>
    %eq3A_138 = vector.broadcast %broadcast_in_dim3A_137 : vector<256x1xf32> to vector<256x128xf32>
    %eq3A_139 = arith.cmpf oeq, %select_n3A_129, %eq3A_138 : vector<256x128xf32>
    %jit3A_140 = arith.constant 8.192000e+03 : f32
    %broadcast_in_dim3A_141 = vector.broadcast %jit3A_140 : f32 to vector<256x128xf32>
    %select_n3A_142 = arith.select %eq3A_139, %add3A_134, %broadcast_in_dim3A_141 : vector<256x128xi1>, vector<256x128xf32>
    %reduce_min3A_143 = arith.constant dense<0x7F800000> : vector<256xf32>
    %reduce_min3A_144 = vector.multi_reduction <minimumf>, %select_n3A_142, %reduce_min3A_143 [1] : vector<256x128xf32> to vector<256xf32>
    %broadcast_in_dim3A_145 = vector.shape_cast %reduce_min3A_144 : vector<256xf32> to vector<256x1xf32>
    %convert_element_type3A_146 = arith.fptosi %broadcast_in_dim3A_145 : vector<256x1xf32> to vector<256x1xi32>
    %add3A_147 = arith.constant 1024 : i32
    %add3A_148 = vector.broadcast %add3A_147 : i32 to vector<256x1xi32>
    %add3A_149 = arith.addi %convert_element_type3A_146, %add3A_148 : vector<256x1xi32>
    %lt3A_150 = arith.cmpf olt, %broadcast_in_dim3A_137, %broadcast_in_dim3A_62 : vector<256x1xf32>
    %select_n3A_151 = arith.select %lt3A_150, %broadcast_in_dim3A_137, %broadcast_in_dim3A_62 : vector<256x1xi1>, vector<256x1xf32>
    %select_n3A_152 = arith.select %lt3A_150, %add3A_149, %add3A_73 : vector<256x1xi1>, vector<256x1xi32>
    %get3A_153 = arith.constant 2048 : index
    %get3A_154 = arith.constant 0 : index
    %get3A_155 = vector.load %arg3[%get3A_153, %get3A_154] : memref<8192x256xf32, #tpu.memory_space<vmem>>, vector<1024x256xf32>
    %dot_general3A_156 = arith.constant dense<0.000000e+00> : vector<256x1024xf32>
    %dot_general3A_157 = tpu.matmul %mul3A_6, %get3A_155, %dot_general3A_156 {dimension_numbers = #tpu.dot_dimension_numbers<[1], [1], [0], [0], [0, 0, 1, 0], [], []>, transpose_lhs_hint = false} : vector<256x256xf32>, vector<1024x256xf32>, vector<256x1024xf32> -> vector<256x1024xf32>
    %get3A_158 = arith.constant 0 : index
    %get3A_159 = arith.constant 2048 : index
    %get3A_160 = vector.load %arg1[%get3A_158, %get3A_159] : memref<1x8192xf32, #tpu.memory_space<vmem>>, vector<1x1024xf32>
    %add3A_161 = vector.broadcast %broadcast_in_dim3A : vector<256x1xf32> to vector<256x1024xf32>
    %add3A_162 = vector.broadcast %get3A_160 : vector<1x1024xf32> to vector<256x1024xf32>
    %add3A_163 = arith.addf %add3A_161, %add3A_162 : vector<256x1024xf32>
    %sub3A_164 = arith.subf %add3A_163, %dot_general3A_157 : vector<256x1024xf32>
    %slice3A_165 = vector.extract_strided_slice %sub3A_164 {offsets = [0, 0], sizes = [256, 128], strides = [1, 1]} : vector<256x1024xf32> to vector<256x128xf32>
    %slice3A_166 = vector.extract_strided_slice %sub3A_164 {offsets = [0, 128], sizes = [256, 128], strides = [1, 1]} : vector<256x1024xf32> to vector<256x128xf32>
    %slice3A_167 = vector.extract_strided_slice %sub3A_164 {offsets = [0, 256], sizes = [256, 128], strides = [1, 1]} : vector<256x1024xf32> to vector<256x128xf32>
    %slice3A_168 = vector.extract_strided_slice %sub3A_164 {offsets = [0, 384], sizes = [256, 128], strides = [1, 1]} : vector<256x1024xf32> to vector<256x128xf32>
    %slice3A_169 = vector.extract_strided_slice %sub3A_164 {offsets = [0, 512], sizes = [256, 128], strides = [1, 1]} : vector<256x1024xf32> to vector<256x128xf32>
    %slice3A_170 = vector.extract_strided_slice %sub3A_164 {offsets = [0, 640], sizes = [256, 128], strides = [1, 1]} : vector<256x1024xf32> to vector<256x128xf32>
    %slice3A_171 = vector.extract_strided_slice %sub3A_164 {offsets = [0, 768], sizes = [256, 128], strides = [1, 1]} : vector<256x1024xf32> to vector<256x128xf32>
    %slice3A_172 = vector.extract_strided_slice %sub3A_164 {offsets = [0, 896], sizes = [256, 128], strides = [1, 1]} : vector<256x1024xf32> to vector<256x128xf32>
    %lt3A_173 = arith.cmpf olt, %slice3A_166, %slice3A_165 : vector<256x128xf32>
    %lt3A_174 = arith.cmpf olt, %slice3A_168, %slice3A_167 : vector<256x128xf32>
    %lt3A_175 = arith.cmpf olt, %slice3A_170, %slice3A_169 : vector<256x128xf32>
    %lt3A_176 = arith.cmpf olt, %slice3A_172, %slice3A_171 : vector<256x128xf32>
    %select_n3A_177 = arith.select %lt3A_173, %slice3A_166, %slice3A_165 : vector<256x128xi1>, vector<256x128xf32>
    %jit3A_178 = arith.constant 1.000000e+00 : f32
    %jit3A_179 = arith.constant 0.000000e+00 : f32
    %broadcast_in_dim3A_180 = vector.broadcast %jit3A_178 : f32 to vector<256x128xf32>
    %broadcast_in_dim3A_181 = vector.broadcast %jit3A_179 : f32 to vector<256x128xf32>
    %select_n3A_182 = arith.select %lt3A_173, %broadcast_in_dim3A_180, %broadcast_in_dim3A_181 : vector<256x128xi1>, vector<256x128xf32>
    %select_n3A_183 = arith.select %lt3A_174, %slice3A_168, %slice3A_167 : vector<256x128xi1>, vector<256x128xf32>
    %jit3A_184 = arith.constant 3.000000e+00 : f32
    %jit3A_185 = arith.constant 2.000000e+00 : f32
    %broadcast_in_dim3A_186 = vector.broadcast %jit3A_184 : f32 to vector<256x128xf32>
    %broadcast_in_dim3A_187 = vector.broadcast %jit3A_185 : f32 to vector<256x128xf32>
    %select_n3A_188 = arith.select %lt3A_174, %broadcast_in_dim3A_186, %broadcast_in_dim3A_187 : vector<256x128xi1>, vector<256x128xf32>
    %select_n3A_189 = arith.select %lt3A_175, %slice3A_170, %slice3A_169 : vector<256x128xi1>, vector<256x128xf32>
    %jit3A_190 = arith.constant 5.000000e+00 : f32
    %jit3A_191 = arith.constant 4.000000e+00 : f32
    %broadcast_in_dim3A_192 = vector.broadcast %jit3A_190 : f32 to vector<256x128xf32>
    %broadcast_in_dim3A_193 = vector.broadcast %jit3A_191 : f32 to vector<256x128xf32>
    %select_n3A_194 = arith.select %lt3A_175, %broadcast_in_dim3A_192, %broadcast_in_dim3A_193 : vector<256x128xi1>, vector<256x128xf32>
    %select_n3A_195 = arith.select %lt3A_176, %slice3A_172, %slice3A_171 : vector<256x128xi1>, vector<256x128xf32>
    %jit3A_196 = arith.constant 7.000000e+00 : f32
    %jit3A_197 = arith.constant 6.000000e+00 : f32
    %broadcast_in_dim3A_198 = vector.broadcast %jit3A_196 : f32 to vector<256x128xf32>
    %broadcast_in_dim3A_199 = vector.broadcast %jit3A_197 : f32 to vector<256x128xf32>
    %select_n3A_200 = arith.select %lt3A_176, %broadcast_in_dim3A_198, %broadcast_in_dim3A_199 : vector<256x128xi1>, vector<256x128xf32>
    %lt3A_201 = arith.cmpf olt, %select_n3A_183, %select_n3A_177 : vector<256x128xf32>
    %lt3A_202 = arith.cmpf olt, %select_n3A_195, %select_n3A_189 : vector<256x128xf32>
    %select_n3A_203 = arith.select %lt3A_201, %select_n3A_183, %select_n3A_177 : vector<256x128xi1>, vector<256x128xf32>
    %select_n3A_204 = arith.select %lt3A_201, %select_n3A_188, %select_n3A_182 : vector<256x128xi1>, vector<256x128xf32>
    %select_n3A_205 = arith.select %lt3A_202, %select_n3A_195, %select_n3A_189 : vector<256x128xi1>, vector<256x128xf32>
    %select_n3A_206 = arith.select %lt3A_202, %select_n3A_200, %select_n3A_194 : vector<256x128xi1>, vector<256x128xf32>
    %lt3A_207 = arith.cmpf olt, %select_n3A_205, %select_n3A_203 : vector<256x128xf32>
    %select_n3A_208 = arith.select %lt3A_207, %select_n3A_205, %select_n3A_203 : vector<256x128xi1>, vector<256x128xf32>
    %select_n3A_209 = arith.select %lt3A_207, %select_n3A_206, %select_n3A_204 : vector<256x128xi1>, vector<256x128xf32>
    %mul3A_210 = arith.constant 1.280000e+02 : f32
    %mul3A_211 = vector.broadcast %mul3A_210 : f32 to vector<256x128xf32>
    %mul3A_212 = arith.mulf %select_n3A_209, %mul3A_211 : vector<256x128xf32>
    %add3A_213 = arith.addf %mul3A_212, %convert_element_type3A : vector<256x128xf32>
    %reduce_min3A_214 = arith.constant dense<0x7F800000> : vector<256xf32>
    %reduce_min3A_215 = vector.multi_reduction <minimumf>, %select_n3A_208, %reduce_min3A_214 [1] : vector<256x128xf32> to vector<256xf32>
    %broadcast_in_dim3A_216 = vector.shape_cast %reduce_min3A_215 : vector<256xf32> to vector<256x1xf32>
    %eq3A_217 = vector.broadcast %broadcast_in_dim3A_216 : vector<256x1xf32> to vector<256x128xf32>
    %eq3A_218 = arith.cmpf oeq, %select_n3A_208, %eq3A_217 : vector<256x128xf32>
    %jit3A_219 = arith.constant 8.192000e+03 : f32
    %broadcast_in_dim3A_220 = vector.broadcast %jit3A_219 : f32 to vector<256x128xf32>
    %select_n3A_221 = arith.select %eq3A_218, %add3A_213, %broadcast_in_dim3A_220 : vector<256x128xi1>, vector<256x128xf32>
    %reduce_min3A_222 = arith.constant dense<0x7F800000> : vector<256xf32>
    %reduce_min3A_223 = vector.multi_reduction <minimumf>, %select_n3A_221, %reduce_min3A_222 [1] : vector<256x128xf32> to vector<256xf32>
    %broadcast_in_dim3A_224 = vector.shape_cast %reduce_min3A_223 : vector<256xf32> to vector<256x1xf32>
    %convert_element_type3A_225 = arith.fptosi %broadcast_in_dim3A_224 : vector<256x1xf32> to vector<256x1xi32>
    %add3A_226 = arith.constant 2048 : i32
    %add3A_227 = vector.broadcast %add3A_226 : i32 to vector<256x1xi32>
    %add3A_228 = arith.addi %convert_element_type3A_225, %add3A_227 : vector<256x1xi32>
    %lt3A_229 = arith.cmpf olt, %broadcast_in_dim3A_216, %select_n3A_151 : vector<256x1xf32>
    %select_n3A_230 = arith.select %lt3A_229, %broadcast_in_dim3A_216, %select_n3A_151 : vector<256x1xi1>, vector<256x1xf32>
    %select_n3A_231 = arith.select %lt3A_229, %add3A_228, %select_n3A_152 : vector<256x1xi1>, vector<256x1xi32>
    %get3A_232 = arith.constant 3072 : index
    %get3A_233 = arith.constant 0 : index
    %get3A_234 = vector.load %arg3[%get3A_232, %get3A_233] : memref<8192x256xf32, #tpu.memory_space<vmem>>, vector<1024x256xf32>
    %dot_general3A_235 = arith.constant dense<0.000000e+00> : vector<256x1024xf32>
    %dot_general3A_236 = tpu.matmul %mul3A_6, %get3A_234, %dot_general3A_235 {dimension_numbers = #tpu.dot_dimension_numbers<[1], [1], [0], [0], [0, 0, 1, 0], [], []>, transpose_lhs_hint = false} : vector<256x256xf32>, vector<1024x256xf32>, vector<256x1024xf32> -> vector<256x1024xf32>
    %get3A_237 = arith.constant 0 : index
    %get3A_238 = arith.constant 3072 : index
    %get3A_239 = vector.load %arg1[%get3A_237, %get3A_238] : memref<1x8192xf32, #tpu.memory_space<vmem>>, vector<1x1024xf32>
    %add3A_240 = vector.broadcast %broadcast_in_dim3A : vector<256x1xf32> to vector<256x1024xf32>
    %add3A_241 = vector.broadcast %get3A_239 : vector<1x1024xf32> to vector<256x1024xf32>
    %add3A_242 = arith.addf %add3A_240, %add3A_241 : vector<256x1024xf32>
    %sub3A_243 = arith.subf %add3A_242, %dot_general3A_236 : vector<256x1024xf32>
    %slice3A_244 = vector.extract_strided_slice %sub3A_243 {offsets = [0, 0], sizes = [256, 128], strides = [1, 1]} : vector<256x1024xf32> to vector<256x128xf32>
    %slice3A_245 = vector.extract_strided_slice %sub3A_243 {offsets = [0, 128], sizes = [256, 128], strides = [1, 1]} : vector<256x1024xf32> to vector<256x128xf32>
    %slice3A_246 = vector.extract_strided_slice %sub3A_243 {offsets = [0, 256], sizes = [256, 128], strides = [1, 1]} : vector<256x1024xf32> to vector<256x128xf32>
    %slice3A_247 = vector.extract_strided_slice %sub3A_243 {offsets = [0, 384], sizes = [256, 128], strides = [1, 1]} : vector<256x1024xf32> to vector<256x128xf32>
    %slice3A_248 = vector.extract_strided_slice %sub3A_243 {offsets = [0, 512], sizes = [256, 128], strides = [1, 1]} : vector<256x1024xf32> to vector<256x128xf32>
    %slice3A_249 = vector.extract_strided_slice %sub3A_243 {offsets = [0, 640], sizes = [256, 128], strides = [1, 1]} : vector<256x1024xf32> to vector<256x128xf32>
    %slice3A_250 = vector.extract_strided_slice %sub3A_243 {offsets = [0, 768], sizes = [256, 128], strides = [1, 1]} : vector<256x1024xf32> to vector<256x128xf32>
    %slice3A_251 = vector.extract_strided_slice %sub3A_243 {offsets = [0, 896], sizes = [256, 128], strides = [1, 1]} : vector<256x1024xf32> to vector<256x128xf32>
    %lt3A_252 = arith.cmpf olt, %slice3A_245, %slice3A_244 : vector<256x128xf32>
    %lt3A_253 = arith.cmpf olt, %slice3A_247, %slice3A_246 : vector<256x128xf32>
    %lt3A_254 = arith.cmpf olt, %slice3A_249, %slice3A_248 : vector<256x128xf32>
    %lt3A_255 = arith.cmpf olt, %slice3A_251, %slice3A_250 : vector<256x128xf32>
    %select_n3A_256 = arith.select %lt3A_252, %slice3A_245, %slice3A_244 : vector<256x128xi1>, vector<256x128xf32>
    %jit3A_257 = arith.constant 1.000000e+00 : f32
    %jit3A_258 = arith.constant 0.000000e+00 : f32
    %broadcast_in_dim3A_259 = vector.broadcast %jit3A_257 : f32 to vector<256x128xf32>
    %broadcast_in_dim3A_260 = vector.broadcast %jit3A_258 : f32 to vector<256x128xf32>
    %select_n3A_261 = arith.select %lt3A_252, %broadcast_in_dim3A_259, %broadcast_in_dim3A_260 : vector<256x128xi1>, vector<256x128xf32>
    %select_n3A_262 = arith.select %lt3A_253, %slice3A_247, %slice3A_246 : vector<256x128xi1>, vector<256x128xf32>
    %jit3A_263 = arith.constant 3.000000e+00 : f32
    %jit3A_264 = arith.constant 2.000000e+00 : f32
    %broadcast_in_dim3A_265 = vector.broadcast %jit3A_263 : f32 to vector<256x128xf32>
    %broadcast_in_dim3A_266 = vector.broadcast %jit3A_264 : f32 to vector<256x128xf32>
    %select_n3A_267 = arith.select %lt3A_253, %broadcast_in_dim3A_265, %broadcast_in_dim3A_266 : vector<256x128xi1>, vector<256x128xf32>
    %select_n3A_268 = arith.select %lt3A_254, %slice3A_249, %slice3A_248 : vector<256x128xi1>, vector<256x128xf32>
    %jit3A_269 = arith.constant 5.000000e+00 : f32
    %jit3A_270 = arith.constant 4.000000e+00 : f32
    %broadcast_in_dim3A_271 = vector.broadcast %jit3A_269 : f32 to vector<256x128xf32>
    %broadcast_in_dim3A_272 = vector.broadcast %jit3A_270 : f32 to vector<256x128xf32>
    %select_n3A_273 = arith.select %lt3A_254, %broadcast_in_dim3A_271, %broadcast_in_dim3A_272 : vector<256x128xi1>, vector<256x128xf32>
    %select_n3A_274 = arith.select %lt3A_255, %slice3A_251, %slice3A_250 : vector<256x128xi1>, vector<256x128xf32>
    %jit3A_275 = arith.constant 7.000000e+00 : f32
    %jit3A_276 = arith.constant 6.000000e+00 : f32
    %broadcast_in_dim3A_277 = vector.broadcast %jit3A_275 : f32 to vector<256x128xf32>
    %broadcast_in_dim3A_278 = vector.broadcast %jit3A_276 : f32 to vector<256x128xf32>
    %select_n3A_279 = arith.select %lt3A_255, %broadcast_in_dim3A_277, %broadcast_in_dim3A_278 : vector<256x128xi1>, vector<256x128xf32>
    %lt3A_280 = arith.cmpf olt, %select_n3A_262, %select_n3A_256 : vector<256x128xf32>
    %lt3A_281 = arith.cmpf olt, %select_n3A_274, %select_n3A_268 : vector<256x128xf32>
    %select_n3A_282 = arith.select %lt3A_280, %select_n3A_262, %select_n3A_256 : vector<256x128xi1>, vector<256x128xf32>
    %select_n3A_283 = arith.select %lt3A_280, %select_n3A_267, %select_n3A_261 : vector<256x128xi1>, vector<256x128xf32>
    %select_n3A_284 = arith.select %lt3A_281, %select_n3A_274, %select_n3A_268 : vector<256x128xi1>, vector<256x128xf32>
    %select_n3A_285 = arith.select %lt3A_281, %select_n3A_279, %select_n3A_273 : vector<256x128xi1>, vector<256x128xf32>
    %lt3A_286 = arith.cmpf olt, %select_n3A_284, %select_n3A_282 : vector<256x128xf32>
    %select_n3A_287 = arith.select %lt3A_286, %select_n3A_284, %select_n3A_282 : vector<256x128xi1>, vector<256x128xf32>
    %select_n3A_288 = arith.select %lt3A_286, %select_n3A_285, %select_n3A_283 : vector<256x128xi1>, vector<256x128xf32>
    %mul3A_289 = arith.constant 1.280000e+02 : f32
    %mul3A_290 = vector.broadcast %mul3A_289 : f32 to vector<256x128xf32>
    %mul3A_291 = arith.mulf %select_n3A_288, %mul3A_290 : vector<256x128xf32>
    %add3A_292 = arith.addf %mul3A_291, %convert_element_type3A : vector<256x128xf32>
    %reduce_min3A_293 = arith.constant dense<0x7F800000> : vector<256xf32>
    %reduce_min3A_294 = vector.multi_reduction <minimumf>, %select_n3A_287, %reduce_min3A_293 [1] : vector<256x128xf32> to vector<256xf32>
    %broadcast_in_dim3A_295 = vector.shape_cast %reduce_min3A_294 : vector<256xf32> to vector<256x1xf32>
    %eq3A_296 = vector.broadcast %broadcast_in_dim3A_295 : vector<256x1xf32> to vector<256x128xf32>
    %eq3A_297 = arith.cmpf oeq, %select_n3A_287, %eq3A_296 : vector<256x128xf32>
    %jit3A_298 = arith.constant 8.192000e+03 : f32
    %broadcast_in_dim3A_299 = vector.broadcast %jit3A_298 : f32 to vector<256x128xf32>
    %select_n3A_300 = arith.select %eq3A_297, %add3A_292, %broadcast_in_dim3A_299 : vector<256x128xi1>, vector<256x128xf32>
    %reduce_min3A_301 = arith.constant dense<0x7F800000> : vector<256xf32>
    %reduce_min3A_302 = vector.multi_reduction <minimumf>, %select_n3A_300, %reduce_min3A_301 [1] : vector<256x128xf32> to vector<256xf32>
    %broadcast_in_dim3A_303 = vector.shape_cast %reduce_min3A_302 : vector<256xf32> to vector<256x1xf32>
    %convert_element_type3A_304 = arith.fptosi %broadcast_in_dim3A_303 : vector<256x1xf32> to vector<256x1xi32>
    %add3A_305 = arith.constant 3072 : i32
    %add3A_306 = vector.broadcast %add3A_305 : i32 to vector<256x1xi32>
    %add3A_307 = arith.addi %convert_element_type3A_304, %add3A_306 : vector<256x1xi32>
    %lt3A_308 = arith.cmpf olt, %broadcast_in_dim3A_295, %select_n3A_230 : vector<256x1xf32>
    %select_n3A_309 = arith.select %lt3A_308, %broadcast_in_dim3A_295, %select_n3A_230 : vector<256x1xi1>, vector<256x1xf32>
    %select_n3A_310 = arith.select %lt3A_308, %add3A_307, %select_n3A_231 : vector<256x1xi1>, vector<256x1xi32>
    %get3A_311 = arith.constant 4096 : index
    %get3A_312 = arith.constant 0 : index
    %get3A_313 = vector.load %arg3[%get3A_311, %get3A_312] : memref<8192x256xf32, #tpu.memory_space<vmem>>, vector<1024x256xf32>
    %dot_general3A_314 = arith.constant dense<0.000000e+00> : vector<256x1024xf32>
    %dot_general3A_315 = tpu.matmul %mul3A_6, %get3A_313, %dot_general3A_314 {dimension_numbers = #tpu.dot_dimension_numbers<[1], [1], [0], [0], [0, 0, 1, 0], [], []>, transpose_lhs_hint = false} : vector<256x256xf32>, vector<1024x256xf32>, vector<256x1024xf32> -> vector<256x1024xf32>
    %get3A_316 = arith.constant 0 : index
    %get3A_317 = arith.constant 4096 : index
    %get3A_318 = vector.load %arg1[%get3A_316, %get3A_317] : memref<1x8192xf32, #tpu.memory_space<vmem>>, vector<1x1024xf32>
    %add3A_319 = vector.broadcast %broadcast_in_dim3A : vector<256x1xf32> to vector<256x1024xf32>
    %add3A_320 = vector.broadcast %get3A_318 : vector<1x1024xf32> to vector<256x1024xf32>
    %add3A_321 = arith.addf %add3A_319, %add3A_320 : vector<256x1024xf32>
    %sub3A_322 = arith.subf %add3A_321, %dot_general3A_315 : vector<256x1024xf32>
    %slice3A_323 = vector.extract_strided_slice %sub3A_322 {offsets = [0, 0], sizes = [256, 128], strides = [1, 1]} : vector<256x1024xf32> to vector<256x128xf32>
    %slice3A_324 = vector.extract_strided_slice %sub3A_322 {offsets = [0, 128], sizes = [256, 128], strides = [1, 1]} : vector<256x1024xf32> to vector<256x128xf32>
    %slice3A_325 = vector.extract_strided_slice %sub3A_322 {offsets = [0, 256], sizes = [256, 128], strides = [1, 1]} : vector<256x1024xf32> to vector<256x128xf32>
    %slice3A_326 = vector.extract_strided_slice %sub3A_322 {offsets = [0, 384], sizes = [256, 128], strides = [1, 1]} : vector<256x1024xf32> to vector<256x128xf32>
    %slice3A_327 = vector.extract_strided_slice %sub3A_322 {offsets = [0, 512], sizes = [256, 128], strides = [1, 1]} : vector<256x1024xf32> to vector<256x128xf32>
    %slice3A_328 = vector.extract_strided_slice %sub3A_322 {offsets = [0, 640], sizes = [256, 128], strides = [1, 1]} : vector<256x1024xf32> to vector<256x128xf32>
    %slice3A_329 = vector.extract_strided_slice %sub3A_322 {offsets = [0, 768], sizes = [256, 128], strides = [1, 1]} : vector<256x1024xf32> to vector<256x128xf32>
    %slice3A_330 = vector.extract_strided_slice %sub3A_322 {offsets = [0, 896], sizes = [256, 128], strides = [1, 1]} : vector<256x1024xf32> to vector<256x128xf32>
    %lt3A_331 = arith.cmpf olt, %slice3A_324, %slice3A_323 : vector<256x128xf32>
    %lt3A_332 = arith.cmpf olt, %slice3A_326, %slice3A_325 : vector<256x128xf32>
    %lt3A_333 = arith.cmpf olt, %slice3A_328, %slice3A_327 : vector<256x128xf32>
    %lt3A_334 = arith.cmpf olt, %slice3A_330, %slice3A_329 : vector<256x128xf32>
    %select_n3A_335 = arith.select %lt3A_331, %slice3A_324, %slice3A_323 : vector<256x128xi1>, vector<256x128xf32>
    %jit3A_336 = arith.constant 1.000000e+00 : f32
    %jit3A_337 = arith.constant 0.000000e+00 : f32
    %broadcast_in_dim3A_338 = vector.broadcast %jit3A_336 : f32 to vector<256x128xf32>
    %broadcast_in_dim3A_339 = vector.broadcast %jit3A_337 : f32 to vector<256x128xf32>
    %select_n3A_340 = arith.select %lt3A_331, %broadcast_in_dim3A_338, %broadcast_in_dim3A_339 : vector<256x128xi1>, vector<256x128xf32>
    %select_n3A_341 = arith.select %lt3A_332, %slice3A_326, %slice3A_325 : vector<256x128xi1>, vector<256x128xf32>
    %jit3A_342 = arith.constant 3.000000e+00 : f32
    %jit3A_343 = arith.constant 2.000000e+00 : f32
    %broadcast_in_dim3A_344 = vector.broadcast %jit3A_342 : f32 to vector<256x128xf32>
    %broadcast_in_dim3A_345 = vector.broadcast %jit3A_343 : f32 to vector<256x128xf32>
    %select_n3A_346 = arith.select %lt3A_332, %broadcast_in_dim3A_344, %broadcast_in_dim3A_345 : vector<256x128xi1>, vector<256x128xf32>
    %select_n3A_347 = arith.select %lt3A_333, %slice3A_328, %slice3A_327 : vector<256x128xi1>, vector<256x128xf32>
    %jit3A_348 = arith.constant 5.000000e+00 : f32
    %jit3A_349 = arith.constant 4.000000e+00 : f32
    %broadcast_in_dim3A_350 = vector.broadcast %jit3A_348 : f32 to vector<256x128xf32>
    %broadcast_in_dim3A_351 = vector.broadcast %jit3A_349 : f32 to vector<256x128xf32>
    %select_n3A_352 = arith.select %lt3A_333, %broadcast_in_dim3A_350, %broadcast_in_dim3A_351 : vector<256x128xi1>, vector<256x128xf32>
    %select_n3A_353 = arith.select %lt3A_334, %slice3A_330, %slice3A_329 : vector<256x128xi1>, vector<256x128xf32>
    %jit3A_354 = arith.constant 7.000000e+00 : f32
    %jit3A_355 = arith.constant 6.000000e+00 : f32
    %broadcast_in_dim3A_356 = vector.broadcast %jit3A_354 : f32 to vector<256x128xf32>
    %broadcast_in_dim3A_357 = vector.broadcast %jit3A_355 : f32 to vector<256x128xf32>
    %select_n3A_358 = arith.select %lt3A_334, %broadcast_in_dim3A_356, %broadcast_in_dim3A_357 : vector<256x128xi1>, vector<256x128xf32>
    %lt3A_359 = arith.cmpf olt, %select_n3A_341, %select_n3A_335 : vector<256x128xf32>
    %lt3A_360 = arith.cmpf olt, %select_n3A_353, %select_n3A_347 : vector<256x128xf32>
    %select_n3A_361 = arith.select %lt3A_359, %select_n3A_341, %select_n3A_335 : vector<256x128xi1>, vector<256x128xf32>
    %select_n3A_362 = arith.select %lt3A_359, %select_n3A_346, %select_n3A_340 : vector<256x128xi1>, vector<256x128xf32>
    %select_n3A_363 = arith.select %lt3A_360, %select_n3A_353, %select_n3A_347 : vector<256x128xi1>, vector<256x128xf32>
    %select_n3A_364 = arith.select %lt3A_360, %select_n3A_358, %select_n3A_352 : vector<256x128xi1>, vector<256x128xf32>
    %lt3A_365 = arith.cmpf olt, %select_n3A_363, %select_n3A_361 : vector<256x128xf32>
    %select_n3A_366 = arith.select %lt3A_365, %select_n3A_363, %select_n3A_361 : vector<256x128xi1>, vector<256x128xf32>
    %select_n3A_367 = arith.select %lt3A_365, %select_n3A_364, %select_n3A_362 : vector<256x128xi1>, vector<256x128xf32>
    %mul3A_368 = arith.constant 1.280000e+02 : f32
    %mul3A_369 = vector.broadcast %mul3A_368 : f32 to vector<256x128xf32>
    %mul3A_370 = arith.mulf %select_n3A_367, %mul3A_369 : vector<256x128xf32>
    %add3A_371 = arith.addf %mul3A_370, %convert_element_type3A : vector<256x128xf32>
    %reduce_min3A_372 = arith.constant dense<0x7F800000> : vector<256xf32>
    %reduce_min3A_373 = vector.multi_reduction <minimumf>, %select_n3A_366, %reduce_min3A_372 [1] : vector<256x128xf32> to vector<256xf32>
    %broadcast_in_dim3A_374 = vector.shape_cast %reduce_min3A_373 : vector<256xf32> to vector<256x1xf32>
    %eq3A_375 = vector.broadcast %broadcast_in_dim3A_374 : vector<256x1xf32> to vector<256x128xf32>
    %eq3A_376 = arith.cmpf oeq, %select_n3A_366, %eq3A_375 : vector<256x128xf32>
    %jit3A_377 = arith.constant 8.192000e+03 : f32
    %broadcast_in_dim3A_378 = vector.broadcast %jit3A_377 : f32 to vector<256x128xf32>
    %select_n3A_379 = arith.select %eq3A_376, %add3A_371, %broadcast_in_dim3A_378 : vector<256x128xi1>, vector<256x128xf32>
    %reduce_min3A_380 = arith.constant dense<0x7F800000> : vector<256xf32>
    %reduce_min3A_381 = vector.multi_reduction <minimumf>, %select_n3A_379, %reduce_min3A_380 [1] : vector<256x128xf32> to vector<256xf32>
    %broadcast_in_dim3A_382 = vector.shape_cast %reduce_min3A_381 : vector<256xf32> to vector<256x1xf32>
    %convert_element_type3A_383 = arith.fptosi %broadcast_in_dim3A_382 : vector<256x1xf32> to vector<256x1xi32>
    %add3A_384 = arith.constant 4096 : i32
    %add3A_385 = vector.broadcast %add3A_384 : i32 to vector<256x1xi32>
    %add3A_386 = arith.addi %convert_element_type3A_383, %add3A_385 : vector<256x1xi32>
    %lt3A_387 = arith.cmpf olt, %broadcast_in_dim3A_374, %select_n3A_309 : vector<256x1xf32>
    %select_n3A_388 = arith.select %lt3A_387, %broadcast_in_dim3A_374, %select_n3A_309 : vector<256x1xi1>, vector<256x1xf32>
    %select_n3A_389 = arith.select %lt3A_387, %add3A_386, %select_n3A_310 : vector<256x1xi1>, vector<256x1xi32>
    %get3A_390 = arith.constant 5120 : index
    %get3A_391 = arith.constant 0 : index
    %get3A_392 = vector.load %arg3[%get3A_390, %get3A_391] : memref<8192x256xf32, #tpu.memory_space<vmem>>, vector<1024x256xf32>
    %dot_general3A_393 = arith.constant dense<0.000000e+00> : vector<256x1024xf32>
    %dot_general3A_394 = tpu.matmul %mul3A_6, %get3A_392, %dot_general3A_393 {dimension_numbers = #tpu.dot_dimension_numbers<[1], [1], [0], [0], [0, 0, 1, 0], [], []>, transpose_lhs_hint = false} : vector<256x256xf32>, vector<1024x256xf32>, vector<256x1024xf32> -> vector<256x1024xf32>
    %get3A_395 = arith.constant 0 : index
    %get3A_396 = arith.constant 5120 : index
    %get3A_397 = vector.load %arg1[%get3A_395, %get3A_396] : memref<1x8192xf32, #tpu.memory_space<vmem>>, vector<1x1024xf32>
    %add3A_398 = vector.broadcast %broadcast_in_dim3A : vector<256x1xf32> to vector<256x1024xf32>
    %add3A_399 = vector.broadcast %get3A_397 : vector<1x1024xf32> to vector<256x1024xf32>
    %add3A_400 = arith.addf %add3A_398, %add3A_399 : vector<256x1024xf32>
    %sub3A_401 = arith.subf %add3A_400, %dot_general3A_394 : vector<256x1024xf32>
    %slice3A_402 = vector.extract_strided_slice %sub3A_401 {offsets = [0, 0], sizes = [256, 128], strides = [1, 1]} : vector<256x1024xf32> to vector<256x128xf32>
    %slice3A_403 = vector.extract_strided_slice %sub3A_401 {offsets = [0, 128], sizes = [256, 128], strides = [1, 1]} : vector<256x1024xf32> to vector<256x128xf32>
    %slice3A_404 = vector.extract_strided_slice %sub3A_401 {offsets = [0, 256], sizes = [256, 128], strides = [1, 1]} : vector<256x1024xf32> to vector<256x128xf32>
    %slice3A_405 = vector.extract_strided_slice %sub3A_401 {offsets = [0, 384], sizes = [256, 128], strides = [1, 1]} : vector<256x1024xf32> to vector<256x128xf32>
    %slice3A_406 = vector.extract_strided_slice %sub3A_401 {offsets = [0, 512], sizes = [256, 128], strides = [1, 1]} : vector<256x1024xf32> to vector<256x128xf32>
    %slice3A_407 = vector.extract_strided_slice %sub3A_401 {offsets = [0, 640], sizes = [256, 128], strides = [1, 1]} : vector<256x1024xf32> to vector<256x128xf32>
    %slice3A_408 = vector.extract_strided_slice %sub3A_401 {offsets = [0, 768], sizes = [256, 128], strides = [1, 1]} : vector<256x1024xf32> to vector<256x128xf32>
    %slice3A_409 = vector.extract_strided_slice %sub3A_401 {offsets = [0, 896], sizes = [256, 128], strides = [1, 1]} : vector<256x1024xf32> to vector<256x128xf32>
    %lt3A_410 = arith.cmpf olt, %slice3A_403, %slice3A_402 : vector<256x128xf32>
    %lt3A_411 = arith.cmpf olt, %slice3A_405, %slice3A_404 : vector<256x128xf32>
    %lt3A_412 = arith.cmpf olt, %slice3A_407, %slice3A_406 : vector<256x128xf32>
    %lt3A_413 = arith.cmpf olt, %slice3A_409, %slice3A_408 : vector<256x128xf32>
    %select_n3A_414 = arith.select %lt3A_410, %slice3A_403, %slice3A_402 : vector<256x128xi1>, vector<256x128xf32>
    %jit3A_415 = arith.constant 1.000000e+00 : f32
    %jit3A_416 = arith.constant 0.000000e+00 : f32
    %broadcast_in_dim3A_417 = vector.broadcast %jit3A_415 : f32 to vector<256x128xf32>
    %broadcast_in_dim3A_418 = vector.broadcast %jit3A_416 : f32 to vector<256x128xf32>
    %select_n3A_419 = arith.select %lt3A_410, %broadcast_in_dim3A_417, %broadcast_in_dim3A_418 : vector<256x128xi1>, vector<256x128xf32>
    %select_n3A_420 = arith.select %lt3A_411, %slice3A_405, %slice3A_404 : vector<256x128xi1>, vector<256x128xf32>
    %jit3A_421 = arith.constant 3.000000e+00 : f32
    %jit3A_422 = arith.constant 2.000000e+00 : f32
    %broadcast_in_dim3A_423 = vector.broadcast %jit3A_421 : f32 to vector<256x128xf32>
    %broadcast_in_dim3A_424 = vector.broadcast %jit3A_422 : f32 to vector<256x128xf32>
    %select_n3A_425 = arith.select %lt3A_411, %broadcast_in_dim3A_423, %broadcast_in_dim3A_424 : vector<256x128xi1>, vector<256x128xf32>
    %select_n3A_426 = arith.select %lt3A_412, %slice3A_407, %slice3A_406 : vector<256x128xi1>, vector<256x128xf32>
    %jit3A_427 = arith.constant 5.000000e+00 : f32
    %jit3A_428 = arith.constant 4.000000e+00 : f32
    %broadcast_in_dim3A_429 = vector.broadcast %jit3A_427 : f32 to vector<256x128xf32>
    %broadcast_in_dim3A_430 = vector.broadcast %jit3A_428 : f32 to vector<256x128xf32>
    %select_n3A_431 = arith.select %lt3A_412, %broadcast_in_dim3A_429, %broadcast_in_dim3A_430 : vector<256x128xi1>, vector<256x128xf32>
    %select_n3A_432 = arith.select %lt3A_413, %slice3A_409, %slice3A_408 : vector<256x128xi1>, vector<256x128xf32>
    %jit3A_433 = arith.constant 7.000000e+00 : f32
    %jit3A_434 = arith.constant 6.000000e+00 : f32
    %broadcast_in_dim3A_435 = vector.broadcast %jit3A_433 : f32 to vector<256x128xf32>
    %broadcast_in_dim3A_436 = vector.broadcast %jit3A_434 : f32 to vector<256x128xf32>
    %select_n3A_437 = arith.select %lt3A_413, %broadcast_in_dim3A_435, %broadcast_in_dim3A_436 : vector<256x128xi1>, vector<256x128xf32>
    %lt3A_438 = arith.cmpf olt, %select_n3A_420, %select_n3A_414 : vector<256x128xf32>
    %lt3A_439 = arith.cmpf olt, %select_n3A_432, %select_n3A_426 : vector<256x128xf32>
    %select_n3A_440 = arith.select %lt3A_438, %select_n3A_420, %select_n3A_414 : vector<256x128xi1>, vector<256x128xf32>
    %select_n3A_441 = arith.select %lt3A_438, %select_n3A_425, %select_n3A_419 : vector<256x128xi1>, vector<256x128xf32>
    %select_n3A_442 = arith.select %lt3A_439, %select_n3A_432, %select_n3A_426 : vector<256x128xi1>, vector<256x128xf32>
    %select_n3A_443 = arith.select %lt3A_439, %select_n3A_437, %select_n3A_431 : vector<256x128xi1>, vector<256x128xf32>
    %lt3A_444 = arith.cmpf olt, %select_n3A_442, %select_n3A_440 : vector<256x128xf32>
    %select_n3A_445 = arith.select %lt3A_444, %select_n3A_442, %select_n3A_440 : vector<256x128xi1>, vector<256x128xf32>
    %select_n3A_446 = arith.select %lt3A_444, %select_n3A_443, %select_n3A_441 : vector<256x128xi1>, vector<256x128xf32>
    %mul3A_447 = arith.constant 1.280000e+02 : f32
    %mul3A_448 = vector.broadcast %mul3A_447 : f32 to vector<256x128xf32>
    %mul3A_449 = arith.mulf %select_n3A_446, %mul3A_448 : vector<256x128xf32>
    %add3A_450 = arith.addf %mul3A_449, %convert_element_type3A : vector<256x128xf32>
    %reduce_min3A_451 = arith.constant dense<0x7F800000> : vector<256xf32>
    %reduce_min3A_452 = vector.multi_reduction <minimumf>, %select_n3A_445, %reduce_min3A_451 [1] : vector<256x128xf32> to vector<256xf32>
    %broadcast_in_dim3A_453 = vector.shape_cast %reduce_min3A_452 : vector<256xf32> to vector<256x1xf32>
    %eq3A_454 = vector.broadcast %broadcast_in_dim3A_453 : vector<256x1xf32> to vector<256x128xf32>
    %eq3A_455 = arith.cmpf oeq, %select_n3A_445, %eq3A_454 : vector<256x128xf32>
    %jit3A_456 = arith.constant 8.192000e+03 : f32
    %broadcast_in_dim3A_457 = vector.broadcast %jit3A_456 : f32 to vector<256x128xf32>
    %select_n3A_458 = arith.select %eq3A_455, %add3A_450, %broadcast_in_dim3A_457 : vector<256x128xi1>, vector<256x128xf32>
    %reduce_min3A_459 = arith.constant dense<0x7F800000> : vector<256xf32>
    %reduce_min3A_460 = vector.multi_reduction <minimumf>, %select_n3A_458, %reduce_min3A_459 [1] : vector<256x128xf32> to vector<256xf32>
    %broadcast_in_dim3A_461 = vector.shape_cast %reduce_min3A_460 : vector<256xf32> to vector<256x1xf32>
    %convert_element_type3A_462 = arith.fptosi %broadcast_in_dim3A_461 : vector<256x1xf32> to vector<256x1xi32>
    %add3A_463 = arith.constant 5120 : i32
    %add3A_464 = vector.broadcast %add3A_463 : i32 to vector<256x1xi32>
    %add3A_465 = arith.addi %convert_element_type3A_462, %add3A_464 : vector<256x1xi32>
    %lt3A_466 = arith.cmpf olt, %broadcast_in_dim3A_453, %select_n3A_388 : vector<256x1xf32>
    %select_n3A_467 = arith.select %lt3A_466, %broadcast_in_dim3A_453, %select_n3A_388 : vector<256x1xi1>, vector<256x1xf32>
    %select_n3A_468 = arith.select %lt3A_466, %add3A_465, %select_n3A_389 : vector<256x1xi1>, vector<256x1xi32>
    %get3A_469 = arith.constant 6144 : index
    %get3A_470 = arith.constant 0 : index
    %get3A_471 = vector.load %arg3[%get3A_469, %get3A_470] : memref<8192x256xf32, #tpu.memory_space<vmem>>, vector<1024x256xf32>
    %dot_general3A_472 = arith.constant dense<0.000000e+00> : vector<256x1024xf32>
    %dot_general3A_473 = tpu.matmul %mul3A_6, %get3A_471, %dot_general3A_472 {dimension_numbers = #tpu.dot_dimension_numbers<[1], [1], [0], [0], [0, 0, 1, 0], [], []>, transpose_lhs_hint = false} : vector<256x256xf32>, vector<1024x256xf32>, vector<256x1024xf32> -> vector<256x1024xf32>
    %get3A_474 = arith.constant 0 : index
    %get3A_475 = arith.constant 6144 : index
    %get3A_476 = vector.load %arg1[%get3A_474, %get3A_475] : memref<1x8192xf32, #tpu.memory_space<vmem>>, vector<1x1024xf32>
    %add3A_477 = vector.broadcast %broadcast_in_dim3A : vector<256x1xf32> to vector<256x1024xf32>
    %add3A_478 = vector.broadcast %get3A_476 : vector<1x1024xf32> to vector<256x1024xf32>
    %add3A_479 = arith.addf %add3A_477, %add3A_478 : vector<256x1024xf32>
    %sub3A_480 = arith.subf %add3A_479, %dot_general3A_473 : vector<256x1024xf32>
    %slice3A_481 = vector.extract_strided_slice %sub3A_480 {offsets = [0, 0], sizes = [256, 128], strides = [1, 1]} : vector<256x1024xf32> to vector<256x128xf32>
    %slice3A_482 = vector.extract_strided_slice %sub3A_480 {offsets = [0, 128], sizes = [256, 128], strides = [1, 1]} : vector<256x1024xf32> to vector<256x128xf32>
    %slice3A_483 = vector.extract_strided_slice %sub3A_480 {offsets = [0, 256], sizes = [256, 128], strides = [1, 1]} : vector<256x1024xf32> to vector<256x128xf32>
    %slice3A_484 = vector.extract_strided_slice %sub3A_480 {offsets = [0, 384], sizes = [256, 128], strides = [1, 1]} : vector<256x1024xf32> to vector<256x128xf32>
    %slice3A_485 = vector.extract_strided_slice %sub3A_480 {offsets = [0, 512], sizes = [256, 128], strides = [1, 1]} : vector<256x1024xf32> to vector<256x128xf32>
    %slice3A_486 = vector.extract_strided_slice %sub3A_480 {offsets = [0, 640], sizes = [256, 128], strides = [1, 1]} : vector<256x1024xf32> to vector<256x128xf32>
    %slice3A_487 = vector.extract_strided_slice %sub3A_480 {offsets = [0, 768], sizes = [256, 128], strides = [1, 1]} : vector<256x1024xf32> to vector<256x128xf32>
    %slice3A_488 = vector.extract_strided_slice %sub3A_480 {offsets = [0, 896], sizes = [256, 128], strides = [1, 1]} : vector<256x1024xf32> to vector<256x128xf32>
    %lt3A_489 = arith.cmpf olt, %slice3A_482, %slice3A_481 : vector<256x128xf32>
    %lt3A_490 = arith.cmpf olt, %slice3A_484, %slice3A_483 : vector<256x128xf32>
    %lt3A_491 = arith.cmpf olt, %slice3A_486, %slice3A_485 : vector<256x128xf32>
    %lt3A_492 = arith.cmpf olt, %slice3A_488, %slice3A_487 : vector<256x128xf32>
    %select_n3A_493 = arith.select %lt3A_489, %slice3A_482, %slice3A_481 : vector<256x128xi1>, vector<256x128xf32>
    %jit3A_494 = arith.constant 1.000000e+00 : f32
    %jit3A_495 = arith.constant 0.000000e+00 : f32
    %broadcast_in_dim3A_496 = vector.broadcast %jit3A_494 : f32 to vector<256x128xf32>
    %broadcast_in_dim3A_497 = vector.broadcast %jit3A_495 : f32 to vector<256x128xf32>
    %select_n3A_498 = arith.select %lt3A_489, %broadcast_in_dim3A_496, %broadcast_in_dim3A_497 : vector<256x128xi1>, vector<256x128xf32>
    %select_n3A_499 = arith.select %lt3A_490, %slice3A_484, %slice3A_483 : vector<256x128xi1>, vector<256x128xf32>
    %jit3A_500 = arith.constant 3.000000e+00 : f32
    %jit3A_501 = arith.constant 2.000000e+00 : f32
    %broadcast_in_dim3A_502 = vector.broadcast %jit3A_500 : f32 to vector<256x128xf32>
    %broadcast_in_dim3A_503 = vector.broadcast %jit3A_501 : f32 to vector<256x128xf32>
    %select_n3A_504 = arith.select %lt3A_490, %broadcast_in_dim3A_502, %broadcast_in_dim3A_503 : vector<256x128xi1>, vector<256x128xf32>
    %select_n3A_505 = arith.select %lt3A_491, %slice3A_486, %slice3A_485 : vector<256x128xi1>, vector<256x128xf32>
    %jit3A_506 = arith.constant 5.000000e+00 : f32
    %jit3A_507 = arith.constant 4.000000e+00 : f32
    %broadcast_in_dim3A_508 = vector.broadcast %jit3A_506 : f32 to vector<256x128xf32>
    %broadcast_in_dim3A_509 = vector.broadcast %jit3A_507 : f32 to vector<256x128xf32>
    %select_n3A_510 = arith.select %lt3A_491, %broadcast_in_dim3A_508, %broadcast_in_dim3A_509 : vector<256x128xi1>, vector<256x128xf32>
    %select_n3A_511 = arith.select %lt3A_492, %slice3A_488, %slice3A_487 : vector<256x128xi1>, vector<256x128xf32>
    %jit3A_512 = arith.constant 7.000000e+00 : f32
    %jit3A_513 = arith.constant 6.000000e+00 : f32
    %broadcast_in_dim3A_514 = vector.broadcast %jit3A_512 : f32 to vector<256x128xf32>
    %broadcast_in_dim3A_515 = vector.broadcast %jit3A_513 : f32 to vector<256x128xf32>
    %select_n3A_516 = arith.select %lt3A_492, %broadcast_in_dim3A_514, %broadcast_in_dim3A_515 : vector<256x128xi1>, vector<256x128xf32>
    %lt3A_517 = arith.cmpf olt, %select_n3A_499, %select_n3A_493 : vector<256x128xf32>
    %lt3A_518 = arith.cmpf olt, %select_n3A_511, %select_n3A_505 : vector<256x128xf32>
    %select_n3A_519 = arith.select %lt3A_517, %select_n3A_499, %select_n3A_493 : vector<256x128xi1>, vector<256x128xf32>
    %select_n3A_520 = arith.select %lt3A_517, %select_n3A_504, %select_n3A_498 : vector<256x128xi1>, vector<256x128xf32>
    %select_n3A_521 = arith.select %lt3A_518, %select_n3A_511, %select_n3A_505 : vector<256x128xi1>, vector<256x128xf32>
    %select_n3A_522 = arith.select %lt3A_518, %select_n3A_516, %select_n3A_510 : vector<256x128xi1>, vector<256x128xf32>
    %lt3A_523 = arith.cmpf olt, %select_n3A_521, %select_n3A_519 : vector<256x128xf32>
    %select_n3A_524 = arith.select %lt3A_523, %select_n3A_521, %select_n3A_519 : vector<256x128xi1>, vector<256x128xf32>
    %select_n3A_525 = arith.select %lt3A_523, %select_n3A_522, %select_n3A_520 : vector<256x128xi1>, vector<256x128xf32>
    %mul3A_526 = arith.constant 1.280000e+02 : f32
    %mul3A_527 = vector.broadcast %mul3A_526 : f32 to vector<256x128xf32>
    %mul3A_528 = arith.mulf %select_n3A_525, %mul3A_527 : vector<256x128xf32>
    %add3A_529 = arith.addf %mul3A_528, %convert_element_type3A : vector<256x128xf32>
    %reduce_min3A_530 = arith.constant dense<0x7F800000> : vector<256xf32>
    %reduce_min3A_531 = vector.multi_reduction <minimumf>, %select_n3A_524, %reduce_min3A_530 [1] : vector<256x128xf32> to vector<256xf32>
    %broadcast_in_dim3A_532 = vector.shape_cast %reduce_min3A_531 : vector<256xf32> to vector<256x1xf32>
    %eq3A_533 = vector.broadcast %broadcast_in_dim3A_532 : vector<256x1xf32> to vector<256x128xf32>
    %eq3A_534 = arith.cmpf oeq, %select_n3A_524, %eq3A_533 : vector<256x128xf32>
    %jit3A_535 = arith.constant 8.192000e+03 : f32
    %broadcast_in_dim3A_536 = vector.broadcast %jit3A_535 : f32 to vector<256x128xf32>
    %select_n3A_537 = arith.select %eq3A_534, %add3A_529, %broadcast_in_dim3A_536 : vector<256x128xi1>, vector<256x128xf32>
    %reduce_min3A_538 = arith.constant dense<0x7F800000> : vector<256xf32>
    %reduce_min3A_539 = vector.multi_reduction <minimumf>, %select_n3A_537, %reduce_min3A_538 [1] : vector<256x128xf32> to vector<256xf32>
    %broadcast_in_dim3A_540 = vector.shape_cast %reduce_min3A_539 : vector<256xf32> to vector<256x1xf32>
    %convert_element_type3A_541 = arith.fptosi %broadcast_in_dim3A_540 : vector<256x1xf32> to vector<256x1xi32>
    %add3A_542 = arith.constant 6144 : i32
    %add3A_543 = vector.broadcast %add3A_542 : i32 to vector<256x1xi32>
    %add3A_544 = arith.addi %convert_element_type3A_541, %add3A_543 : vector<256x1xi32>
    %lt3A_545 = arith.cmpf olt, %broadcast_in_dim3A_532, %select_n3A_467 : vector<256x1xf32>
    %select_n3A_546 = arith.select %lt3A_545, %broadcast_in_dim3A_532, %select_n3A_467 : vector<256x1xi1>, vector<256x1xf32>
    %select_n3A_547 = arith.select %lt3A_545, %add3A_544, %select_n3A_468 : vector<256x1xi1>, vector<256x1xi32>
    %get3A_548 = arith.constant 7168 : index
    %get3A_549 = arith.constant 0 : index
    %get3A_550 = vector.load %arg3[%get3A_548, %get3A_549] : memref<8192x256xf32, #tpu.memory_space<vmem>>, vector<1024x256xf32>
    %dot_general3A_551 = arith.constant dense<0.000000e+00> : vector<256x1024xf32>
    %dot_general3A_552 = tpu.matmul %mul3A_6, %get3A_550, %dot_general3A_551 {dimension_numbers = #tpu.dot_dimension_numbers<[1], [1], [0], [0], [0, 0, 1, 0], [], []>, transpose_lhs_hint = false} : vector<256x256xf32>, vector<1024x256xf32>, vector<256x1024xf32> -> vector<256x1024xf32>
    %get3A_553 = arith.constant 0 : index
    %get3A_554 = arith.constant 7168 : index
    %get3A_555 = vector.load %arg1[%get3A_553, %get3A_554] : memref<1x8192xf32, #tpu.memory_space<vmem>>, vector<1x1024xf32>
    %add3A_556 = vector.broadcast %broadcast_in_dim3A : vector<256x1xf32> to vector<256x1024xf32>
    %add3A_557 = vector.broadcast %get3A_555 : vector<1x1024xf32> to vector<256x1024xf32>
    %add3A_558 = arith.addf %add3A_556, %add3A_557 : vector<256x1024xf32>
    %sub3A_559 = arith.subf %add3A_558, %dot_general3A_552 : vector<256x1024xf32>
    %slice3A_560 = vector.extract_strided_slice %sub3A_559 {offsets = [0, 0], sizes = [256, 128], strides = [1, 1]} : vector<256x1024xf32> to vector<256x128xf32>
    %slice3A_561 = vector.extract_strided_slice %sub3A_559 {offsets = [0, 128], sizes = [256, 128], strides = [1, 1]} : vector<256x1024xf32> to vector<256x128xf32>
    %slice3A_562 = vector.extract_strided_slice %sub3A_559 {offsets = [0, 256], sizes = [256, 128], strides = [1, 1]} : vector<256x1024xf32> to vector<256x128xf32>
    %slice3A_563 = vector.extract_strided_slice %sub3A_559 {offsets = [0, 384], sizes = [256, 128], strides = [1, 1]} : vector<256x1024xf32> to vector<256x128xf32>
    %slice3A_564 = vector.extract_strided_slice %sub3A_559 {offsets = [0, 512], sizes = [256, 128], strides = [1, 1]} : vector<256x1024xf32> to vector<256x128xf32>
    %slice3A_565 = vector.extract_strided_slice %sub3A_559 {offsets = [0, 640], sizes = [256, 128], strides = [1, 1]} : vector<256x1024xf32> to vector<256x128xf32>
    %slice3A_566 = vector.extract_strided_slice %sub3A_559 {offsets = [0, 768], sizes = [256, 128], strides = [1, 1]} : vector<256x1024xf32> to vector<256x128xf32>
    %slice3A_567 = vector.extract_strided_slice %sub3A_559 {offsets = [0, 896], sizes = [256, 128], strides = [1, 1]} : vector<256x1024xf32> to vector<256x128xf32>
    %lt3A_568 = arith.cmpf olt, %slice3A_561, %slice3A_560 : vector<256x128xf32>
    %lt3A_569 = arith.cmpf olt, %slice3A_563, %slice3A_562 : vector<256x128xf32>
    %lt3A_570 = arith.cmpf olt, %slice3A_565, %slice3A_564 : vector<256x128xf32>
    %lt3A_571 = arith.cmpf olt, %slice3A_567, %slice3A_566 : vector<256x128xf32>
    %select_n3A_572 = arith.select %lt3A_568, %slice3A_561, %slice3A_560 : vector<256x128xi1>, vector<256x128xf32>
    %jit3A_573 = arith.constant 1.000000e+00 : f32
    %jit3A_574 = arith.constant 0.000000e+00 : f32
    %broadcast_in_dim3A_575 = vector.broadcast %jit3A_573 : f32 to vector<256x128xf32>
    %broadcast_in_dim3A_576 = vector.broadcast %jit3A_574 : f32 to vector<256x128xf32>
    %select_n3A_577 = arith.select %lt3A_568, %broadcast_in_dim3A_575, %broadcast_in_dim3A_576 : vector<256x128xi1>, vector<256x128xf32>
    %select_n3A_578 = arith.select %lt3A_569, %slice3A_563, %slice3A_562 : vector<256x128xi1>, vector<256x128xf32>
    %jit3A_579 = arith.constant 3.000000e+00 : f32
    %jit3A_580 = arith.constant 2.000000e+00 : f32
    %broadcast_in_dim3A_581 = vector.broadcast %jit3A_579 : f32 to vector<256x128xf32>
    %broadcast_in_dim3A_582 = vector.broadcast %jit3A_580 : f32 to vector<256x128xf32>
    %select_n3A_583 = arith.select %lt3A_569, %broadcast_in_dim3A_581, %broadcast_in_dim3A_582 : vector<256x128xi1>, vector<256x128xf32>
    %select_n3A_584 = arith.select %lt3A_570, %slice3A_565, %slice3A_564 : vector<256x128xi1>, vector<256x128xf32>
    %jit3A_585 = arith.constant 5.000000e+00 : f32
    %jit3A_586 = arith.constant 4.000000e+00 : f32
    %broadcast_in_dim3A_587 = vector.broadcast %jit3A_585 : f32 to vector<256x128xf32>
    %broadcast_in_dim3A_588 = vector.broadcast %jit3A_586 : f32 to vector<256x128xf32>
    %select_n3A_589 = arith.select %lt3A_570, %broadcast_in_dim3A_587, %broadcast_in_dim3A_588 : vector<256x128xi1>, vector<256x128xf32>
    %select_n3A_590 = arith.select %lt3A_571, %slice3A_567, %slice3A_566 : vector<256x128xi1>, vector<256x128xf32>
    %jit3A_591 = arith.constant 7.000000e+00 : f32
    %jit3A_592 = arith.constant 6.000000e+00 : f32
    %broadcast_in_dim3A_593 = vector.broadcast %jit3A_591 : f32 to vector<256x128xf32>
    %broadcast_in_dim3A_594 = vector.broadcast %jit3A_592 : f32 to vector<256x128xf32>
    %select_n3A_595 = arith.select %lt3A_571, %broadcast_in_dim3A_593, %broadcast_in_dim3A_594 : vector<256x128xi1>, vector<256x128xf32>
    %lt3A_596 = arith.cmpf olt, %select_n3A_578, %select_n3A_572 : vector<256x128xf32>
    %lt3A_597 = arith.cmpf olt, %select_n3A_590, %select_n3A_584 : vector<256x128xf32>
    %select_n3A_598 = arith.select %lt3A_596, %select_n3A_578, %select_n3A_572 : vector<256x128xi1>, vector<256x128xf32>
    %select_n3A_599 = arith.select %lt3A_596, %select_n3A_583, %select_n3A_577 : vector<256x128xi1>, vector<256x128xf32>
    %select_n3A_600 = arith.select %lt3A_597, %select_n3A_590, %select_n3A_584 : vector<256x128xi1>, vector<256x128xf32>
    %select_n3A_601 = arith.select %lt3A_597, %select_n3A_595, %select_n3A_589 : vector<256x128xi1>, vector<256x128xf32>
    %lt3A_602 = arith.cmpf olt, %select_n3A_600, %select_n3A_598 : vector<256x128xf32>
    %select_n3A_603 = arith.select %lt3A_602, %select_n3A_600, %select_n3A_598 : vector<256x128xi1>, vector<256x128xf32>
    %select_n3A_604 = arith.select %lt3A_602, %select_n3A_601, %select_n3A_599 : vector<256x128xi1>, vector<256x128xf32>
    %mul3A_605 = arith.constant 1.280000e+02 : f32
    %mul3A_606 = vector.broadcast %mul3A_605 : f32 to vector<256x128xf32>
    %mul3A_607 = arith.mulf %select_n3A_604, %mul3A_606 : vector<256x128xf32>
    %add3A_608 = arith.addf %mul3A_607, %convert_element_type3A : vector<256x128xf32>
    %reduce_min3A_609 = arith.constant dense<0x7F800000> : vector<256xf32>
    %reduce_min3A_610 = vector.multi_reduction <minimumf>, %select_n3A_603, %reduce_min3A_609 [1] : vector<256x128xf32> to vector<256xf32>
    %broadcast_in_dim3A_611 = vector.shape_cast %reduce_min3A_610 : vector<256xf32> to vector<256x1xf32>
    %eq3A_612 = vector.broadcast %broadcast_in_dim3A_611 : vector<256x1xf32> to vector<256x128xf32>
    %eq3A_613 = arith.cmpf oeq, %select_n3A_603, %eq3A_612 : vector<256x128xf32>
    %jit3A_614 = arith.constant 8.192000e+03 : f32
    %broadcast_in_dim3A_615 = vector.broadcast %jit3A_614 : f32 to vector<256x128xf32>
    %select_n3A_616 = arith.select %eq3A_613, %add3A_608, %broadcast_in_dim3A_615 : vector<256x128xi1>, vector<256x128xf32>
    %reduce_min3A_617 = arith.constant dense<0x7F800000> : vector<256xf32>
    %reduce_min3A_618 = vector.multi_reduction <minimumf>, %select_n3A_616, %reduce_min3A_617 [1] : vector<256x128xf32> to vector<256xf32>
    %broadcast_in_dim3A_619 = vector.shape_cast %reduce_min3A_618 : vector<256xf32> to vector<256x1xf32>
    %convert_element_type3A_620 = arith.fptosi %broadcast_in_dim3A_619 : vector<256x1xf32> to vector<256x1xi32>
    %add3A_621 = arith.constant 7168 : i32
    %add3A_622 = vector.broadcast %add3A_621 : i32 to vector<256x1xi32>
    %add3A_623 = arith.addi %convert_element_type3A_620, %add3A_622 : vector<256x1xi32>
    %lt3A_624 = arith.cmpf olt, %broadcast_in_dim3A_611, %select_n3A_546 : vector<256x1xf32>
    %select_n3A_625 = arith.select %lt3A_624, %add3A_623, %select_n3A_547 : vector<256x1xi1>, vector<256x1xi32>
    %squeeze3A = vector.shape_cast %select_n3A_625 : vector<256x1xi32> to vector<256xi32>
    %swap3A = arith.constant 0 : index
    %swap3A_626 = arith.constant 0 : index
    %swap3A_627 = arith.constant 0 : index
    %swap3A_628 = vector.load %arg4[%swap3A, %swap3A_626, %swap3A_627] : memref<1x1x256xi32, #tpu.memory_space<vmem>>, vector<1x1x256xi32>
    %swap3A_629 = vector.shape_cast %swap3A_628 : vector<1x1x256xi32> to vector<256xi32>
    %swap3A_630 = vector.shape_cast %squeeze3A : vector<256xi32> to vector<1x1x256xi32>
    tpu.vector_store %arg4[%swap3A, %swap3A_626, %swap3A_627], %swap3A_630 {strides = array<i32>} : memref<1x1x256xi32, #tpu.memory_space<vmem>>, vector<1x1x256xi32>,
    return
  }
  func.func @transform_0(%arg0: i32) -> (i32, i32) {
    %c0_i32 = arith.constant 0 : i32
    %c0_i32_0 = arith.constant 0 : i32
    %c0_i32_1 = arith.constant 0 : i32
    return %c0_i32, %c0_i32_0 : i32, i32
  }
  func.func @transform_1(%arg0: i32) -> (i32, i32, i32) {
    %jit3A = arith.constant 4 : i32
    %div3A = arith.divsi %arg0, %jit3A : i32
    %sign3A = arith.constant 0 : i32
    %sign3A_0 = arith.cmpi sgt, %arg0, %sign3A : i32
    %sign3A_1 = arith.extui %sign3A_0 : i1 to i32
    %sign3A_2 = arith.constant 0 : i32
    %sign3A_3 = arith.cmpi slt, %arg0, %sign3A_2 : i32
    %sign3A_4 = arith.extui %sign3A_3 : i1 to i32
    %sign3A_5 = arith.subi %sign3A_1, %sign3A_4 : i32
    %sign3A_6 = arith.constant 0 : i32
    %sign3A_7 = arith.cmpi sgt, %jit3A, %sign3A_6 : i32
    %sign3A_8 = arith.extui %sign3A_7 : i1 to i32
    %sign3A_9 = arith.constant 0 : i32
    %sign3A_10 = arith.cmpi slt, %jit3A, %sign3A_9 : i32
    %sign3A_11 = arith.extui %sign3A_10 : i1 to i32
    %sign3A_12 = arith.subi %sign3A_8, %sign3A_11 : i32
    %ne3A = arith.cmpi ne, %sign3A_5, %sign3A_12 : i32
    %rem3A = arith.remsi %arg0, %jit3A : i32
    %ne3A_13 = arith.constant 0 : i32
    %ne3A_14 = arith.cmpi ne, %rem3A, %ne3A_13 : i32
    %and3A = arith.andi %ne3A, %ne3A_14 : i1
    %sub3A = arith.constant 1 : i32
    %sub3A_15 = arith.subi %div3A, %sub3A : i32
    %select_n3A = arith.select %and3A, %sub3A_15, %div3A : i32
    %jit3A_16 = arith.constant 4 : i32
    %eq3A = arith.constant 0 : i32
    %eq3A_17 = arith.cmpi eq, %jit3A_16, %eq3A : i32
    %jit3A_18 = arith.constant 1 : i32
    %select_n3A_19 = arith.select %eq3A_17, %jit3A_18, %jit3A_16 : i32
    %rem3A_20 = arith.remsi %arg0, %select_n3A_19 : i32
    %ne3A_21 = arith.constant 0 : i32
    %ne3A_22 = arith.cmpi ne, %rem3A_20, %ne3A_21 : i32
    %lt3A = arith.constant 0 : i32
    %lt3A_23 = arith.cmpi slt, %rem3A_20, %lt3A : i32
    %lt3A_24 = arith.constant 0 : i32
    %lt3A_25 = arith.cmpi slt, %select_n3A_19, %lt3A_24 : i32
    %ne3A_26 = arith.xori %lt3A_23, %lt3A_25 : i1
    %and3A_27 = arith.andi %ne3A_26, %ne3A_22 : i1
    %add3A = arith.addi %rem3A_20, %select_n3A_19 : i32
    %select_n3A_28 = arith.select %and3A_27, %add3A, %rem3A_20 : i32
    %c0_i32 = arith.constant 0 : i32
    %c0_i32_29 = arith.constant 0 : i32
    return %select_n3A, %c0_i32, %select_n3A_28 : i32, i32, i32
  }
  func.func @transform_2(%arg0: i32) -> (i32, i32) {
    %c0_i32 = arith.constant 0 : i32
    %c0_i32_0 = arith.constant 0 : i32
    %c0_i32_1 = arith.constant 0 : i32
    return %c0_i32, %c0_i32_0 : i32, i32
  }
  func.func @transform_3(%arg0: i32) -> (i32, i32, i32) {
    %c0_i32 = arith.constant 0 : i32
    %c0_i32_0 = arith.constant 0 : i32
    %c0_i32_1 = arith.constant 0 : i32
    return %arg0, %c0_i32, %c0_i32_0 : i32, i32, i32
  }
}

module attributes {stable_mosaic.version = 14 : i64} {
  func.func @_st_loss_body(%arg0: i32, %arg1: memref<1024x256xf32, #tpu.memory_space<vmem>>, %arg2: memref<1024x256xf32, #tpu.memory_space<vmem>>, %arg3: memref<1024x256xf32, #tpu.memory_space<vmem>>, %arg4: memref<1x1xf32, #tpu.memory_space<vmem>>) attributes {dimension_semantics = [#tpu.dimension_semantics<arbitrary>], iteration_bounds = array<i64: 8>, scalar_prefetch = 0 : i64, scratch_operands = 0 : i64, tpu.core_type = #tpu.core_type<tc>, window_params = [{transform_indices = @transform_0, window_bounds = array<i64: 1024, 256>}, {transform_indices = @transform_1, window_bounds = array<i64: 1024, 256>}, {transform_indices = @transform_2, window_bounds = array<i64: 1024, 256>}, {pipeline_mode = #tpu.pipeline_mode<synchronous>, transform_indices = @transform_3, window_bounds = array<i64: 1, 1>}]} {
    %eq3A = arith.constant 0 : i32
    %eq3A_0 = arith.cmpi eq, %arg0, %eq3A : i32
    %convert_element_type3A = arith.extui %eq3A_0 : i1 to i32
    %cond3A = arith.constant 0 : i32
    %cond3A_1 = arith.cmpi ne, %convert_element_type3A, %cond3A : i32
    scf.if %cond3A_1 {
      %broadcast_in_dim3A = arith.constant 0.000000e+00 : f32
      %broadcast_in_dim3A_20 = vector.broadcast %broadcast_in_dim3A : f32 to vector<1x1xf32>
      %swap3A_21 = arith.constant 0 : index
      %swap3A_22 = arith.constant 0 : index
      %swap3A_23 = vector.load %arg4[%swap3A_21, %swap3A_22] : memref<1x1xf32, #tpu.memory_space<vmem>>, vector<1x1xf32>
      tpu.vector_store %arg4[%swap3A_21, %swap3A_22], %broadcast_in_dim3A_20 {strides = array<i32>} : memref<1x1xf32, #tpu.memory_space<vmem>>, vector<1x1xf32>,
    } else {
    }
    %get3A = arith.constant 0 : index
    %get3A_2 = arith.constant 0 : index
    %get3A_3 = vector.load %arg1[%get3A, %get3A_2] : memref<1024x256xf32, #tpu.memory_space<vmem>>, vector<1024x256xf32>
    %get3A_4 = arith.constant 0 : index
    %get3A_5 = arith.constant 0 : index
    %get3A_6 = vector.load %arg2[%get3A_4, %get3A_5] : memref<1024x256xf32, #tpu.memory_space<vmem>>, vector<1024x256xf32>
    %sub3A = arith.subf %get3A_3, %get3A_6 : vector<1024x256xf32>
    %add3A = arith.addf %get3A_6, %sub3A : vector<1024x256xf32>
    %swap3A = arith.constant 0 : index
    %swap3A_7 = arith.constant 0 : index
    %swap3A_8 = vector.load %arg3[%swap3A, %swap3A_7] : memref<1024x256xf32, #tpu.memory_space<vmem>>, vector<1024x256xf32>
    tpu.vector_store %arg3[%swap3A, %swap3A_7], %add3A {strides = array<i32>} : memref<1024x256xf32, #tpu.memory_space<vmem>>, vector<1024x256xf32>,
    %get3A_9 = arith.constant 0 : index
    %get3A_10 = arith.constant 0 : index
    %get3A_11 = vector.load %arg4[%get3A_9, %get3A_10] : memref<1x1xf32, #tpu.memory_space<vmem>>, vector<1x1xf32>
    %mul3A = arith.mulf %sub3A, %sub3A : vector<1024x256xf32>
    %reduce_sum3A = vector.shape_cast %mul3A : vector<1024x256xf32> to vector<1x1024x256xf32>
    %reduce_sum3A_12 = arith.constant dense<0.000000e+00> : vector<1xf32>
    %reduce_sum3A_13 = vector.multi_reduction <add>, %reduce_sum3A, %reduce_sum3A_12 [1, 2] : vector<1x1024x256xf32> to vector<1xf32>
    %reduce_sum3A_14 = vector.shape_cast %reduce_sum3A_13 : vector<1xf32> to vector<1x1x1xf32>
    %reduce_sum3A_15 = vector.extract %reduce_sum3A_14[0, 0, 0] : f32 from vector<1x1x1xf32>
    %reshape3A = vector.broadcast %reduce_sum3A_15 : f32 to vector<1x1xf32>
    %add3A_16 = arith.addf %get3A_11, %reshape3A : vector<1x1xf32>
    %swap3A_17 = arith.constant 0 : index
    %swap3A_18 = arith.constant 0 : index
    %swap3A_19 = vector.load %arg4[%swap3A_17, %swap3A_18] : memref<1x1xf32, #tpu.memory_space<vmem>>, vector<1x1xf32>
    tpu.vector_store %arg4[%swap3A_17, %swap3A_18], %add3A_16 {strides = array<i32>} : memref<1x1xf32, #tpu.memory_space<vmem>>, vector<1x1xf32>,
    return
  }
  func.func @transform_0(%arg0: i32) -> (i32, i32) {
    %c0_i32 = arith.constant 0 : i32
    %c0_i32_0 = arith.constant 0 : i32
    return %arg0, %c0_i32 : i32, i32
  }
  func.func @transform_1(%arg0: i32) -> (i32, i32) {
    %c0_i32 = arith.constant 0 : i32
    %c0_i32_0 = arith.constant 0 : i32
    return %arg0, %c0_i32 : i32, i32
  }
  func.func @transform_2(%arg0: i32) -> (i32, i32) {
    %c0_i32 = arith.constant 0 : i32
    %c0_i32_0 = arith.constant 0 : i32
    return %arg0, %c0_i32 : i32, i32
  }
  func.func @transform_3(%arg0: i32) -> (i32, i32) {
    %c0_i32 = arith.constant 0 : i32
    %c0_i32_0 = arith.constant 0 : i32
    %c0_i32_1 = arith.constant 0 : i32
    return %c0_i32, %c0_i32_0 : i32, i32
  }
}

</mosaic_0001>

<sc_bundles>
// kernel: kernel.5.cloned.1.call-start
scs
__scs_entry_jumppad:
0x0: {  	(pc) =	sbr.rel $0x88, $3  }
0x1: {  	(tag) =	ssettag $0x0;
	lr =	simm.s32 $0x1  }
0x2: {  	[smem:$0x3F9F] =	sst lr;
	_ =	strace $0xD0000000  }
0x3: {  	_ = 	snop  }
0x4: {  	_ = 	snop  }
0x5: {  	_ = 	snop  }
0x6: {  	_ = 	snop  }
0x7: {  	_ = 	snop  }
__scs_overlays_trampoline_lowered:
0x8: {  	[smem:$0x3FAE] =	sst s0  }
0x9: {  	[smem:$0x3FAF] =	sst s1  }
0xa: {  	[smem:$0x3FB0] =	sst s2  }
0xb: {  	[smem:$0x3FB1] =	sst s3  }
0xc: {  	[smem:$0x3FB2] =	sst s4  }
0xd: {  	[smem:$0x3FB3] =	sst s5  }
0xe: {  	[smem:$0x3FB4] =	sst s6  }
0xf: {  	[smem:$0x3FB5] =	sst s7  }
0x10: {  	[smem:$0x3FB6] =	sst s8  }
0x11: {  	[smem:$0x3FB7] =	sst s9;
	s0 =	simm.s32 @!p0 $0x0  }
0x12: {  	s1 =	sld [smem:$0x3F9D];
	s0 =	simm.s32 @p0 $0x1  }
0x13: {  	[smem:$0x3FB8] =	sst s0;
	s0 =	simm.s32 @!p1 $0x0  }
0x14: {  	s2 =	sld [smem:$0x3F9C];
	s0 =	simm.s32 @p1 $0x1  }
0x15: {  	[smem:$0x3FB9] =	sst s0;
	s0 =	simm.s32 @!p2 $0x0  }
0x16: {  	s3 =	sld [smem:$0x3FDB];
	s0 =	simm.s32 @p2 $0x1  }
0x17: {  	s4 =	simm.s32 $0x1BF5;
	[smem:$0x3FBB] =	sst s0  }
0x18: {  	s0 =	sld [smem:$0x3F9E];
	_ =	swait.ge [sflag:s4], $0x0  }
0x19: {  	s7 =	sld [smem:$0x3F9F]  }
0x1a: {  	s8 =	sadd.s32 $0xFFFFE003, lr  }
0x1b: {  	s9 =	sadd.s32 $0xFFFFFEF7, lr;
	s5 =	simm.s32 $0xFFFFFFFF;
	p2 =	slt.u32 s8, $0xFFFFF086  }
0x1c: {  	p1 =	slt.u32 s9, $0xF7A;
	s5 =	simm.s32 @!p2 $0x0  }
0x1d: {  	s5 =	simm.s32 @p1 $0x1;
	p0 =	seq.s32 s7, s2  }
0x1e: {  	s7 =	smul.u32 @!p0 $0xF7A, s2;
	p2 =	seq.s32 @!p0 s5, $0x0  }
0x1f: {  	s9 =	smul.u32 $0xF7A, s1;
	s8 =	simm.s32 @!p0 $0x1BF5;
	p2 =	por !p2, p0  }
0x20: {  	[sflag:s8] =	ssyncset.s32 @!p0 $0xFFFFF086;
	s6 =	sadd.s32 @!p0 s3, s7;
	s7 =	simm.s32 @!p0 $0x108  }
0x21: {  	s3 =	sadd.s32 s3, s9;
	s6 =	sadd.s32 @!p0 $0x88, s6;
	s7 =	simm.s32 @p2 $0x1082  }
0x22: {  	[simem:s7], [sflag:s8] =	dma.local @!p0 [hbm:s6], $0xF7A  }
0x23: {  	s9 =	sor.u32 $0xD0000000, s2;
	s6 =	simm.s32 $0x108;
	_ =	swait.ge @!p0 [sflag:s8], $0x0  }
0x24: {  	s3 =	sadd.s32 $0x88, s3;
	s6 =	simm.s32 @!p1 $0x1082;
	[sflag:s4] =	ssyncset.s32 $0xFFFFF086  }
0x25: {  	[simem:s6], [sflag:s4] =	dma.local [hbm:s3], $0xF7A  }
0x26: {  	[smem:$0x3F9F] =	sst s1;
	(tag) =	ssettag s2;
	_ =	strace s9  }
0x27: {  	s1 =	sld [smem:$0x3FAF]  }
0x28: {  	s2 =	sld [smem:$0x3FB0]  }
0x29: {  	s4 =	sld [smem:$0x3FB2]  }
0x2a: {  	p0 =	seq.s32 s5, $0x0;
	s5 =	sld [smem:$0x3FB3]  }
0x2b: {  	s6 =	sld [smem:$0x3FB4]  }
0x2c: {  	s7 =	sld [smem:$0x3FB5]  }
0x2d: {  	s3 =	simm.s32 $0x108;
	s8 =	sld [smem:$0x3FB6]  }
0x2e: {  	s3 =	simm.s32 @!p0 $0x1082;
	s9 =	sld [smem:$0x3FB7]  }
0x2f: {  	lr =	sadd.s32 s0, s3;
	s0 =	sld [smem:$0x3FAE]  }
0x30: {  	s3 =	sld [smem:$0x3FB1]  }
0x31: {  	[smem:$0x3FBA] =	sst s10  }
0x32: {  	s10 =	sld [smem:$0x3FB8];
	_ =	sdelay $0x3  }
0x33: {  	p0 =	seq.s32 s10, $0x1;
	s10 =	sld [smem:$0x3FBA];
	_ =	sdelay $0x3  }
0x34: {  	[smem:$0x3FBA] =	sst s10  }
0x35: {  	s10 =	sld [smem:$0x3FB9];
	_ =	sdelay $0x3  }
0x36: {  	p1 =	seq.s32 s10, $0x1;
	s10 =	sld [smem:$0x3FBA];
	_ =	sdelay $0x3  }
0x37: {  	[smem:$0x3FBA] =	sst s10  }
0x38: {  	s10 =	sld [smem:$0x3FBB]  }
0x39: {  	_ = 	snop;
	(pc) =	sbr.ind lr, $3  }
0x3a: {  	_ = 	snop  }
0x3b: {  	_ = 	snop  }
0x3c: {  	p2 =	seq.s32 s10, $0x1;
	s10 =	sld [smem:$0x3FBA]  }
0x3d: {  	_ =	shalt  }
0x3e: {  	_ =	shalt  }
0x3f: {  	_ =	shalt  }
0x40: {  	_ =	shalt  }
0x41: {  	_ =	shalt  }
0x42: {  	_ =	shalt  }
0x43: {  	_ =	shalt  }
0x44: {  	_ =	shalt  }
0x45: {  	_ =	shalt  }
0x46: {  	_ =	shalt  }
0x47: {  	_ =	shalt  }
0x48: {  	_ =	shalt  }
0x49: {  	_ =	shalt  }
0x4a: {  	_ =	shalt  }
0x4b: {  	_ =	shalt  }
0x4c: {  	_ =	shalt  }
0x4d: {  	_ =	shalt  }
0x4e: {  	_ =	shalt  }
0x4f: {  	_ =	shalt  }
0x50: {  	_ =	shalt  }
0x51: {  	_ =	shalt  }
0x52: {  	_ =	shalt  }
0x53: {  	_ =	shalt  }
0x54: {  	_ =	shalt  }
0x55: {  	_ =	shalt  }
0x56: {  	_ =	shalt  }
0x57: {  	_ =	shalt  }
0x58: {  	_ =	shalt  }
0x59: {  	_ =	shalt  }
0x5a: {  	_ =	shalt  }
0x5b: {  	_ =	shalt  }
0x5c: {  	_ =	shalt  }
0x5d: {  	_ =	shalt  }
0x5e: {  	_ =	shalt  }
0x5f: {  	_ =	shalt  }
0x60: {  	_ =	shalt  }
0x61: {  	_ =	shalt  }
0x62: {  	_ =	shalt  }
0x63: {  	_ =	shalt  }
0x64: {  	_ =	shalt  }
0x65: {  	_ =	shalt  }
0x66: {  	_ =	shalt  }
0x67: {  	_ =	shalt  }
0x68: {  	_ =	shalt  }
0x69: {  	_ =	shalt  }
0x6a: {  	_ =	shalt  }
0x6b: {  	_ =	shalt  }
0x6c: {  	_ =	shalt  }
0x6d: {  	_ =	shalt  }
0x6e: {  	_ =	shalt  }
0x6f: {  	_ =	shalt  }
0x70: {  	_ =	shalt  }
0x71: {  	_ =	shalt  }
0x72: {  	_ =	shalt  }
0x73: {  	_ =	shalt  }
0x74: {  	_ =	shalt  }
0x75: {  	_ =	shalt  }
0x76: {  	_ =	shalt  }
0x77: {  	_ =	shalt  }
0x78: {  	_ =	shalt  }
0x79: {  	_ =	shalt  }
0x7a: {  	_ =	shalt  }
0x7b: {  	_ =	shalt  }
0x7c: {  	_ =	shalt  }
0x7d: {  	_ =	shalt  }
0x7e: {  	_ =	shalt  }
0x7f: {  	_ =	shalt  }
0x80: {  	_ =	shalt  }
0x81: {  	_ =	shalt  }
0x82: {  	_ =	shalt  }
0x83: {  	_ =	shalt  }
0x84: {  	_ =	shalt  }
0x85: {  	_ =	shalt  }
0x86: {  	_ =	shalt  }
0x87: {  	_ =	shalt  }
.Lfunc_end0:
.L_simem_size_0:
called_computation_lowered:
.L_overlay_start_0:
0x88: {  	s2 =	sld [smem:$0x3FD9]  }
0x89: {  	s3 =	sld [smem:$0x3FFE];
	_ =	sdelay $0x1  }
0x8a: {  	s1 =	srdreg.scid  }
0x8b: {  	s0 =	sand.u32 $0x1, s1  }
0x8c: {  	s17 =	sshll.u32 s0, $0xA;
	s2 =	sadd.s32 s3, s2  }
0x8d: {  	s2 =	sadd.s32 s2, s17  }
0x8e: {  	[smem:$0x3FC6] =	sst s2  }
0x8f: {  	_ = 	snop  }
0x90: {  	s2 =	sld [smem:$0x3FC8];
	(tm) =	ssettm $0x1  }
0x91: {  	s18 =	sld [smem:$0x3FFB];
	_ =	sdelay $0x3  }
0x92: {  	_ =	strace s18  }
0x93: {  	s3 =	sld [smem:$0x3FFC];
	_ =	sdelay $0x3  }
0x94: {  	_ =	strace s3  }
0x95: {  	s3 =	sld [smem:$0x3FFD];
	_ =	sdelay $0x3  }
0x96: {  	_ =	strace s3  }
0x97: {  	_ =	strace $0x8FFFFFFF  }
0x98: {  	s19 =	sld [smem:$0x3FDB];
	_ =	sdelay $0x1  }
0x99: {  	s4 =	simm.s32 $_scs_section_size  }
0x9a: {  	s5 =	simm.s32 $_size__tile_overlayer_lowered;
	s6 =	simm.s32 $_tile_overlayer_lowered  }
0x9b: {  	s22 =	simm.s32 $0x1BFF;
	s21 =	sshll.u32 s6, $0x1;
	s3 =	sadd.s32 s4, s19  }
0x9c: {  	s7 =	simm.s32 $0x0;
	s20 =	sshll.u32 s5, $0x1;
	s5 =	sadd.s32 s21, s3  }
0x9d: {  	[timem:s7], [sflag:s22] =	dma.local [hbm:s5], s20  }
0x9e: {  	_ =	swait.ge [sflag:s22], s20  }
0x9f: {  	s4 =	ssub.s32 $0x0, s20;
	[sflag:s22] =	ssyncset.done $0x0  }
0xa0: {  	[sflag:s22] =	ssyncadd.s32 s4;
	_ =	sdelay $0x1  }
0xa1: {  	s23 =	simm.s32 $0x1B8B  }
0xa2: {  	_ =	swait.ge [sflag:s23], $0x1  }
0xa3: {  	[sflag:s23] =	ssyncset.done $0x0  }
0xa4: {  	s25 =	simm.s32 $0x1B8E;
	s24 =	sld [smem:$0x3FFE];
	[sflag:s23] =	ssyncadd.s32 $0xFFFFFFFF  }
0xa5: {  	s26 =	simm.s32 $execute0_lowered;
	[smem:$0x3FD2] =	sst s25  }
0xa6: {  	s5 =	sshll.u32 s26, $0x1;
	_ =	strace $0x80000046;
	[dreg:$0x1] =	wrdreg $0xFFFFFFFF  }
0xa7: {  	s28 =	simm.s32 $_size_execute0_lowered;
	s3 =	sadd.s32 s3, s5;
	[dreg:$0x0] =	wrdreg $0x0  }
0xa8: {  	s5 =	sshll.u32 s28, $0x1;
	[dreg:$0x2] =	wrdreg s3  }
0xa9: {  	[dreg:$0x3] =	wrdreg s5  }
0xaa: {  	[dreg:$0x4] =	wrdreg $0xC0  }
0xab: {  	_ =	task [dreg:s7], $0x5FFFF  }
0xac: {  	[dreg:$0x1] =	wrdreg $0xFFFFFFFF  }
0xad: {  	[dreg:$0x0] =	wrdreg $0x60  }
0xae: {  	[dreg:$0x2] =	wrdreg s2  }
0xaf: {  	[dreg:$0x3] =	wrdreg s24  }
0xb0: {  	[dreg:$0x4] =	wrdreg $0x9  }
0xb1: {  	_ =	task.clear_ibuf [dreg:s7], $0x5FFFF;
	_ =	strace $0x90000046  }
0xb2: {  	s29 =	simm.s32 $0x9;
	_ =	strace $0x8000004F  }
0xb3: {  	_ =	swait.ge [sflag:s29], $0x1  }
0xb4: {  	[sflag:s29] =	ssyncadd.s32 $0xFFFFFFFF  }
0xb5: {  	_ =	strace $0x9000004F  }
0xb6: {  	_ =	sfence  }
0xb7: {  	s30 =	sld [smem:$0x0];
	_ =	sdelay $0x2  }
0xb8: {  	s31 =	sshll.u32 s1, $0xD;
	s1 =	sshrl.u32 s1, $0x2  }
0xb9: {  	s3 =	sand.u32 $0x4000, s31;
	s1 =	sadd.s32 s1, s30  }
0xba: {  	s0 =	sor.u32 s3, s0;
	s1 =	sshll.u32 s1, $0x11  }
0xbb: {  	s0 =	sor.u32 s1, s0  }
0xbc: {  	s0 =	sadd.s32 $0x8F2B, s0  }
0xbd: {  	[sflag:s0] =	ssyncadd.remote.s32 $0x1  }
0xbe: {  	_ =	sfence.sel $0xFFFF  }
0xbf: {  	[dreg:$0x0] =	wrdreg $0xFFFFFFFF;
	(pc) =	sbr.abs _section_cstart, $3  }
0xc0: {  	[dreg:$0x1] =	wrdreg $0xFFFFFFFF  }
0xc1: {  	_ =	task.clear_ibuf [dreg:s7], $0x2FFFF;
	_ =	strace $0x9FFFFFFF  }
0xc2: {  	(tm) =	ssettm $0x7FFFFFFF  }
0xc3: {  	_ =	shalt  }
tec
execute0_lowered:
.L_overlay_start_1:
0x0: {  	(tag) =	ssettag $0x1  }
0x1: {  	s1 =	rddreg [dreg:$0x0]  }
0x2: {  	s5 =	rddreg [dreg:$0x1]  }
0x3: {  	s0 =	rddreg [dreg:$0x2]  }
0x4: {  	s2 =	simm.s32 $0x0;
	s3 =	srdreg.scid;
	s10 =	simm.s32 $0x4  }
0x5: {  	s11 =	simm.s32 $0x0;
	[smem:$0x7FF] =	sst s2;
	s4 =	sand.u32 $0x1, s3  }
.Ltmp0:
0x6: {  	s3 =	stileid.u32;
	_ =	strace $0x80000047;
	(pc) =	sbr.rel .LBB2_1-.Ltmp0, $4  }
0x7: {  	s6 =	ssub.s32 $0x2, s4;
	s7 =	sshll.u32 s4, $0x4;
	s4 =	sadd.s32 $0xC00, s5  }
0x8: {  	v2 =	vlaneseq.u32;
	s5 =	sadd.s32 $0x1000, s5;
	s8 =	sshrl.u32 s6, $0x1;
	s7 =	sor.u32 s3, s7  }
0x9: {  	vm0 =	vmmov $0xffff;
	v1 =	vshrl.u32 v2, $0x3;
	s8 =	ssub.s32 s6, s8;
	s9 =	sshll.u32 s7, $0x5;
	s6 =	sshll.u32 s7, $0x1  }
0xa: {  	v0 =	vand.u32 $0x7, v2;
	v2 =	vor.u32 $0x8, v2;
	v1 =	vmul.u32 $0x8, v1;
	s7 =	sadd.s32 s4, s9;
	s8 =	smax.u32 s8, $0x1;
	s9 =	simm.s32 $0x5  }
.LBB2_4:
0xb: {  	s12 =	sand.u32 $0x1, s12  }
0xc: {  	_ =	strace $0x8000004D;
	s12 =	sadd.s32 $0x3, s12  }
0xd: {  	_ =	swait.ge [sflag:s12], $0x8000  }
0xe: {  	[sflag:s12] =	ssyncset.done $0x0  }
0xf: {  	s11 =	sadd.s32 $0x1, s11;
	[sflag:s12] =	ssyncadd.s32 $0xFFFF8000  }
0x10: {  	p0 =	sne.s32 s11, s8;
	_ =	strace $0x9000004D  }
.Ltmp1:
0x11: {  	_ =	strace $0x8000004E;
	(pc) =	sbr.rel @!p0 .LBB2_5-.Ltmp1, $4  }
0x12: {  	_ =	swait.ge [sflag:s10], $0x8000  }
0x13: {  	[sflag:s10] =	ssyncset.done $0x0  }
0x14: {  	[sflag:s10] =	ssyncadd.s32 $0xFFFF8000  }
0x15: {  	_ =	strace $0x9000004E  }
.LBB2_1:
0x16: {  	_ =	strace $0x80000048  }
0x17: {  	p0 =	por $0x1, $0x1;
	p2 =	por $0x0, $0x0;
	s13 =	simm.s32 $0x0  }
0x18: {  	s12 =	simm.s32 $0x0;
	s17 =	simm.s32 $0x0;
	s14 =	simm.s32 $0x0  }
0x19: {  	[tilespmem:s2], [sflag:$0x1] =	stream.linear.gather [hbm4b:s7+s2], $0x80, $0x200038;
	[tilespmem:$0x10100] =	vst v63  }
0x1a: {  	s15 =	simm.s32 $0x1;
	s16 =	simm.s32 $0x0;
	_ =	strace $0x90000048  }
.LBB2_2:
0x1b: {  	s18 =	smov.u32 s13;
	s13 =	sadd.s32 $0x1, s13  }
0x1c: {  	p1 =	seq.s32 s13, $0x2  }
0x1d: {  	s13 =	simm.s32 @p1 $0x0  }
0x1e: {  	p1 =	sne.s32 s18, s13  }
0x1f: {  	p1 =	por !p0, !p1  }
0x20: {  	p1 =	por !p1, !p1  }
0x21: {  	s19 =	sadd.s32 @p1 s6, s13  }
0x22: {  	s20 =	sand.u32 @p1 $0x1, s15;
	s19 =	sshll.u32 @p1 s19, $0x4  }
0x23: {  	_ =	strace @p1 $0x80000049;
	s22 =	simm.s32 @p1 $0x0;
	s19 =	sand.u32 @p1 $0x1FFFFFF0, s19  }
0x24: {  	s21 =	sshll.u32 @p1 s20, $0x7;
	s20 =	sadd.s32 @p1 $0x1, s20;
	s19 =	sadd.s32 @p1 s4, s19  }
0x25: {  	[tilespmem:s21], [sflag:s20] =	stream.linear.gather @p1 [hbm4b:s19+s22], $0x80, $0x200038;
	[tilespmem:$0x10100] =	vst v63  }
0x26: {  	s23 =	sand.u32 $0x1, s14;
	_ =	strace @p1 $0x90000049  }
0x27: {  	s19 =	sadd.s32 $0x1, s23;
	_ =	strace $0x8000004A  }
0x28: {  	_ =	swait.ge [sflag:s19], $0x80  }
0x29: {  	[sflag:s19] =	ssyncset.done $0x0  }
0x2a: {  	[sflag:s19] =	ssyncadd.s32 $0xFFFFFF80  }
0x2b: {  	s24 =	sshll.u32 s14, $0x7;
	_ =	strace $0x9000004A  }
0x2c: {  	s22 =	sand.u32 $0x80, s24;
	_ =	strace $0x8000004B  }
0x2d: {  	v3 =	vld [tilespmem:s22+$0x0];
	_ =	sdelay $0x4  }
0x2e: {  	v4 =	vshll.u32 v3, $0x1  }
0x2f: {  	v3 =	vand.u32 $0x7, v3;
	v4 =	vand.u32 $0xFFFFFFF0, v4  }
0x30: {  	v3 =	vor.u32 v3, v4  }
0x31: {  	v4 =	vperm.xlane v3, v0;
	_ =	sdelay $0x1  }
0x32: {  	v3 =	vperm.xlane v3, v2;
	v4 =	vadd.s32 v1, v4;
	_ =	sdelay $0x1  }
0x33: {  	s19 =	sand.u32 $0x1, s17;
	v3 =	vadd.s32 v1, v3  }
0x34: {  	s21 =	sshll.u32 s19, $0xF  }
0x35: {  	s20 =	sor.u32 $0x100, s21  }
0x36: {  	[tilespmem:s20], [sflag:$0x5] =	stream.indirect_vreg.gather [hbm4b:s1+s2], $0x80, v4, vm0, $0x2000b8;
	[tilespmem:$0x10100] =	vst v63  }
0x37: {  	s23 =	sor.u32 $0x900, s21  }
0x38: {  	[tilespmem:s23], [sflag:$0x5] =	stream.indirect_vreg.gather [hbm4b:s1+s2], $0x80, v3, vm0, $0x2000b8;
	[tilespmem:$0x10100] =	vst v63  }
0x39: {  	v3 =	vld [tilespmem:s22+$0x10];
	_ =	sdelay $0x4  }
0x3a: {  	v57 =	vshll.u32 v3, $0x1  }
0x3b: {  	v3 =	vand.u32 $0x7, v3;
	v4 =	vand.u32 $0xFFFFFFF0, v57  }
0x3c: {  	v3 =	vor.u32 v3, v4  }
0x3d: {  	v4 =	vperm.xlane v3, v0;
	_ =	sdelay $0x1  }
0x3e: {  	v3 =	vperm.xlane v3, v2;
	v4 =	vadd.s32 v1, v4;
	_ =	sdelay $0x1  }
0x3f: {  	v3 =	vadd.s32 v1, v3;
	_ =	sdelay $0x1  }
0x40: {  	s25 =	sor.u32 $0x1100, s21  }
0x41: {  	[tilespmem:s25], [sflag:$0x5] =	stream.indirect_vreg.gather [hbm4b:s1+s2], $0x80, v4, vm0, $0x2000b8;
	[tilespmem:$0x10100] =	vst v63  }
0x42: {  	s26 =	sor.u32 $0x1900, s21  }
0x43: {  	[tilespmem:s26], [sflag:$0x5] =	stream.indirect_vreg.gather [hbm4b:s1+s2], $0x80, v3, vm0, $0x2000b8;
	[tilespmem:$0x10100] =	vst v63  }
0x44: {  	v3 =	vld [tilespmem:s22+$0x20];
	_ =	sdelay $0x4  }
0x45: {  	v58 =	vshll.u32 v3, $0x1  }
0x46: {  	v3 =	vand.u32 $0x7, v3;
	v4 =	vand.u32 $0xFFFFFFF0, v58  }
0x47: {  	v3 =	vor.u32 v3, v4  }
0x48: {  	v4 =	vperm.xlane v3, v0;
	_ =	sdelay $0x1  }
0x49: {  	v3 =	vperm.xlane v3, v2;
	v4 =	vadd.s32 v1, v4;
	_ =	sdelay $0x1  }
0x4a: {  	v3 =	vadd.s32 v1, v3;
	_ =	sdelay $0x1  }
0x4b: {  	s28 =	sor.u32 $0x2100, s21  }
0x4c: {  	[tilespmem:s28], [sflag:$0x5] =	stream.indirect_vreg.gather [hbm4b:s1+s2], $0x80, v4, vm0, $0x2000b8;
	[tilespmem:$0x10100] =	vst v63  }
0x4d: {  	s29 =	sor.u32 $0x2900, s21  }
0x4e: {  	[tilespmem:s29], [sflag:$0x5] =	stream.indirect_vreg.gather [hbm4b:s1+s2], $0x80, v3, vm0, $0x2000b8;
	[tilespmem:$0x10100] =	vst v63  }
0x4f: {  	v3 =	vld [tilespmem:s22+$0x30];
	_ =	sdelay $0x4  }
0x50: {  	v59 =	vshll.u32 v3, $0x1  }
0x51: {  	v3 =	vand.u32 $0x7, v3;
	v4 =	vand.u32 $0xFFFFFFF0, v59  }
0x52: {  	v3 =	vor.u32 v3, v4  }
0x53: {  	v4 =	vperm.xlane v3, v0;
	_ =	sdelay $0x1  }
0x54: {  	v3 =	vperm.xlane v3, v2;
	v4 =	vadd.s32 v1, v4;
	_ =	sdelay $0x1  }
0x55: {  	v3 =	vadd.s32 v1, v3;
	_ =	sdelay $0x1  }
0x56: {  	s30 =	sor.u32 $0x3100, s21  }
0x57: {  	[tilespmem:s30], [sflag:$0x5] =	stream.indirect_vreg.gather [hbm4b:s1+s2], $0x80, v4, vm0, $0x2000b8;
	[tilespmem:$0x10100] =	vst v63  }
0x58: {  	s31 =	sor.u32 $0x3900, s21  }
0x59: {  	[tilespmem:s31], [sflag:$0x5] =	stream.indirect_vreg.gather [hbm4b:s1+s2], $0x80, v3, vm0, $0x2000b8;
	[tilespmem:$0x10100] =	vst v63  }
0x5a: {  	v3 =	vld [tilespmem:s22+$0x40];
	_ =	sdelay $0x4  }
0x5b: {  	v60 =	vshll.u32 v3, $0x1  }
0x5c: {  	v3 =	vand.u32 $0x7, v3;
	v4 =	vand.u32 $0xFFFFFFF0, v60  }
0x5d: {  	v3 =	vor.u32 v3, v4  }
0x5e: {  	v4 =	vperm.xlane v3, v0;
	_ =	sdelay $0x1  }
0x5f: {  	v3 =	vperm.xlane v3, v2;
	v4 =	vadd.s32 v1, v4;
	_ =	sdelay $0x1  }
0x60: {  	v3 =	vadd.s32 v1, v3;
	_ =	sdelay $0x1  }
0x61: {  	s24 =	sor.u32 $0x4100, s21  }
0x62: {  	[tilespmem:s24], [sflag:$0x5] =	stream.indirect_vreg.gather [hbm4b:s1+s2], $0x80, v4, vm0, $0x2000b8;
	[tilespmem:$0x10100] =	vst v63  }
0x63: {  	s25 =	sor.u32 $0x4900, s21  }
0x64: {  	[tilespmem:s25], [sflag:$0x5] =	stream.indirect_vreg.gather [hbm4b:s1+s2], $0x80, v3, vm0, $0x2000b8;
	[tilespmem:$0x10100] =	vst v63  }
0x65: {  	v3 =	vld [tilespmem:s22+$0x50];
	_ =	sdelay $0x4  }
0x66: {  	v61 =	vshll.u32 v3, $0x1  }
0x67: {  	v3 =	vand.u32 $0x7, v3;
	v4 =	vand.u32 $0xFFFFFFF0, v61  }
0x68: {  	v3 =	vor.u32 v3, v4  }
0x69: {  	v4 =	vperm.xlane v3, v0;
	_ =	sdelay $0x1  }
0x6a: {  	v3 =	vperm.xlane v3, v2;
	v4 =	vadd.s32 v1, v4;
	_ =	sdelay $0x1  }
0x6b: {  	v3 =	vadd.s32 v1, v3;
	_ =	sdelay $0x1  }
0x6c: {  	s26 =	sor.u32 $0x5100, s21  }
0x6d: {  	[tilespmem:s26], [sflag:$0x5] =	stream.indirect_vreg.gather [hbm4b:s1+s2], $0x80, v4, vm0, $0x2000b8;
	[tilespmem:$0x10100] =	vst v63  }
0x6e: {  	s28 =	sor.u32 $0x5900, s21  }
0x6f: {  	[tilespmem:s28], [sflag:$0x5] =	stream.indirect_vreg.gather [hbm4b:s1+s2], $0x80, v3, vm0, $0x2000b8;
	[tilespmem:$0x10100] =	vst v63  }
0x70: {  	v3 =	vld [tilespmem:s22+$0x60];
	_ =	sdelay $0x4  }
0x71: {  	v62 =	vshll.u32 v3, $0x1  }
0x72: {  	v3 =	vand.u32 $0x7, v3;
	v4 =	vand.u32 $0xFFFFFFF0, v62  }
0x73: {  	v3 =	vor.u32 v3, v4  }
0x74: {  	v4 =	vperm.xlane v3, v0;
	_ =	sdelay $0x1  }
0x75: {  	v3 =	vperm.xlane v3, v2;
	v4 =	vadd.s32 v1, v4;
	_ =	sdelay $0x1  }
0x76: {  	v3 =	vadd.s32 v1, v3;
	_ =	sdelay $0x1  }
0x77: {  	s29 =	sor.u32 $0x6100, s21  }
0x78: {  	[tilespmem:s29], [sflag:$0x5] =	stream.indirect_vreg.gather [hbm4b:s1+s2], $0x80, v4, vm0, $0x2000b8;
	[tilespmem:$0x10100] =	vst v63  }
0x79: {  	s30 =	sor.u32 $0x6900, s21  }
0x7a: {  	[tilespmem:s30], [sflag:$0x5] =	stream.indirect_vreg.gather [hbm4b:s1+s2], $0x80, v3, vm0, $0x2000b8;
	[tilespmem:$0x10100] =	vst v63  }
0x7b: {  	v3 =	vld [tilespmem:s22+$0x70];
	_ =	sdelay $0x4  }
0x7c: {  	v63 =	vshll.u32 v3, $0x1  }
0x7d: {  	v3 =	vand.u32 $0x7, v3;
	v4 =	vand.u32 $0xFFFFFFF0, v63  }
0x7e: {  	v3 =	vor.u32 v3, v4  }
0x7f: {  	v4 =	vperm.xlane v3, v0;
	_ =	sdelay $0x1  }
0x80: {  	v3 =	vperm.xlane v3, v2;
	v4 =	vadd.s32 v1, v4;
	_ =	sdelay $0x1  }
0x81: {  	v3 =	vadd.s32 v1, v3;
	_ =	sdelay $0x1  }
0x82: {  	p2 =	por !p2, !p2;
	p3 =	seq.s32 s18, s13;
	s31 =	sor.u32 $0x7100, s21  }
0x83: {  	[tilespmem:s31], [sflag:$0x5] =	stream.indirect_vreg.gather [hbm4b:s1+s2], $0x80, v4, vm0, $0x2000b8;
	[tilespmem:$0x10100] =	vst v63  }
0x84: {  	p2 =	por !p2, !p3;
	s21 =	sor.u32 $0x7900, s21  }
0x85: {  	[tilespmem:s21], [sflag:$0x5] =	stream.indirect_vreg.gather [hbm4b:s1+s2], $0x80, v3, vm0, $0x2000b8;
	[tilespmem:$0x10100] =	vst v63  }
0x86: {  	s18 =	sadd.s32 s6, s18;
	p2 =	por !p2, !p2;
	_ =	swait.ge [sflag:s9], $0x8000  }
0x87: {  	s18 =	sshll.u32 @!p2 s18, $0xC;
	p0 =	por p2, p0;
	[sflag:s9] =	ssyncset.done $0x0  }
.Ltmp2:
0x88: {  	s18 =	sand.u32 @!p2 $0x1FFFF000, s18;
	[sflag:s9] =	ssyncadd.s32 $0xFFFF8000;
	(pc) =	sbr.rel @!p0 .LBB2_4-.Ltmp2, $4  }
0x89: {  	s18 =	sadd.s32 @!p2 s5, s18;
	_ =	strace $0x9000004B  }
0x8a: {  	s19 =	sadd.s32 @!p2 $0x3, s19;
	s21 =	simm.s32 @!p2 $0x0;
	_ =	strace @!p2 $0x8000004C  }
0x8b: {  	[hbm4b:s18+s21] =	stream.linear.scatter @!p2 [tilespmem:s20], [sflag:s19], $0x8000, $0x200038;
	[tilespmem:$0x10100] =	vst v63  }
0x8c: {  	_ =	strace @!p2 $0x9000004C  }
.Ltmp3:
0x8d: {  	s18 =	simm.s32 $0x1;
	(pc) =	sbr.rel .LBB2_2-.Ltmp3, $4  }
0x8e: {  	s19 =	simm.s32 @!p2 $0x1;
	s12 =	sadd.s32 s16, s12;
	s18 =	simm.s32 @!p1 $0x0  }
0x8f: {  	s16 =	simm.s32 $0x1;
	s15 =	sadd.s32 s18, s15;
	s18 =	sadd.s32 @!p2 $0x1, s17  }
0x90: {  	p0 =	por $0x0, $0x0;
	s19 =	simm.s32 @p2 $0x0;
	s18 =	smov.u32 @p2 s17  }
0x91: {  	s14 =	sadd.s32 s14, s19;
	p2 =	por $0x1, $0x1;
	s17 =	smov.u32 s18  }
.LBB2_5:
0x92: {  	_ =	sfence.sel $0x180000  }
0x93: {  	[bflag:$0x0] =	sbarrier.arrive $0xFFFF  }
0x94: {  	p0 =	sne.s32 s3, $0x0;
	_ =	strace $0x90000047  }
0x95: {  	s0 =	sadd.s32 @!p0 $0x100000, s0;
	[bflag:$0x2] =	sbarrier.arrive $0xFFFF  }
0x96: {  	[sflag:s0] =	ssyncadd.tile.s32 @!p0 $0x1;
	_ =	shalt  }
.Lfunc_end2:
_tile_overlayer_lowered:
.L_overlay_start_2:
0x97: {  	(tag) =	ssettag $0x2  }
0x98: {  	s0 =	rddreg [dreg:$0x0];
	s2 =	stileid.u32  }
0x99: {  	s1 =	rddreg [dreg:$0x1];
	p0 =	sne.s32 s2, $0x0  }
0x9a: {  	s3 =	rddreg [dreg:$0x2];
	[bflag:$0x3] =	sbarrier.arrive $0xFFFF;
	s2 =	simm.s32 @!p0 $0x1C01  }
0x9b: {  	[timem:s3], [sflag:s2] =	dma.local @!p0 [hbm:s0], s1  }
0x9c: {  	s0 =	simm.s32 @!p0 $0x1  }
0x9d: {  	_ =	swait.ge @!p0 [sflag:s0], s1  }
0x9e: {  	s1 =	ssub.s32 @!p0 $0x0, s1;
	[sflag:s0] =	ssyncset.done @!p0 $0x0  }
0x9f: {  	[sflag:s0] =	ssyncadd.s32 @!p0 s1  }
0xa0: {  	[bflag:$0x3] =	sbarrier.arrive $0xFFFF  }
0xa1: {  	_ =	shalt  }

</sc_bundles>
